<compile_context>
chip_gen: v7x
topology: tpu7x:2x2x1
jax: 0.10.2.dev20260603
libtpu: 0.0.44.dev20260713+nightly
codegen_flags: <defaults>
</compile_context>

<pallas_src>
import functools

import jax
import jax.numpy as jnp
from jax import lax
from jax.experimental import pallas as pl
from jax.experimental.pallas import tpu as pltpu
from jax.experimental.pallas import tpu_sc as plsc

N, D, E, G, DF, TOPK = 2048, 768, 8, 2, 1536, 2
EG = E // G
BLK = 128
M = N * TOPK + E * BLK
NB = M // BLK
ASSIGN = N * TOPK
NWORK = 32
APW = ASSIGN // NWORK
TPW = N // NWORK
DH = D // 2



def _router_body(x_ref, wgg_ref, wge_ref,
                 pos0_ref, pos1_ref, g0_ref, g1_ref, be_ref, valid_ref):
    x = x_ref[...]
    gl = jnp.dot(x, wgg_ref[...], preferred_element_type=jnp.float32)
    el = jnp.dot(x, wge_ref[...], preferred_element_type=jnp.float32)
    p_group = jax.nn.softmax(gl, axis=-1)
    parts = []
    for g in range(G):
        sm = jax.nn.softmax(el[:, g * EG:(g + 1) * EG], axis=-1)
        parts.append(sm * p_group[:, g:g + 1])
    probs = jnp.concatenate(parts, axis=1)

    iota = lax.broadcasted_iota(jnp.int32, (N, E), 1)
    v0 = jnp.max(probs, axis=1, keepdims=True)
    i0 = jnp.min(jnp.where(probs == v0, iota, E), axis=1, keepdims=True)
    masked = jnp.where(iota == i0, -1.0, probs)
    v1 = jnp.max(masked, axis=1, keepdims=True)
    i1 = jnp.min(jnp.where(masked == v1, iota, E), axis=1, keepdims=True)
    s = v0 + v1 + 1e-9
    g0_ref[...] = v0 / s
    g1_ref[...] = v1 / s

    oh0 = (iota == i0).astype(jnp.float32)
    oh1 = (iota == i1).astype(jnp.float32)
    oh = oh0 + oh1
    cs = N // 16
    tri_r = lax.broadcasted_iota(jnp.int32, (cs, cs), 0)
    tri_c = lax.broadcasted_iota(jnp.int32, (cs, cs), 1)
    tri = (tri_r > tri_c).astype(jnp.float32)
    cum_parts = []
    run = jnp.zeros((1, E), jnp.float32)
    for c in range(16):
        blk = oh[c * cs:(c + 1) * cs]
        local = jnp.dot(tri, blk, preferred_element_type=jnp.float32)
        cum_parts.append(local + run)
        run = run + jnp.sum(blk, axis=0, keepdims=True)
    cum = jnp.concatenate(cum_parts, axis=0)
    rank0 = jnp.sum(cum * oh0, axis=1, keepdims=True)
    rank1 = jnp.sum(cum * oh1, axis=1, keepdims=True)

    counts = run
    padded = jnp.floor((counts + (BLK - 1)) * (1.0 / BLK)) * BLK
    er = lax.broadcasted_iota(jnp.int32, (E, E), 0)
    ec = lax.broadcasted_iota(jnp.int32, (E, E), 1)
    incl = (er <= ec).astype(jnp.float32)
    seg_end = jnp.dot(padded, incl, preferred_element_type=jnp.float32)
    offsets = seg_end - padded

    pos0 = jnp.sum(oh0 * offsets, axis=1, keepdims=True) + rank0
    pos1 = jnp.sum(oh1 * offsets, axis=1, keepdims=True) + rank1
    pos0_ref[...] = pos0.astype(jnp.int32)
    pos1_ref[...] = pos1.astype(jnp.int32)

    starts = (lax.broadcasted_iota(jnp.int32, (1, NB), 1) * BLK).astype(jnp.float32)
    be = jnp.zeros((1, NB), jnp.int32)
    for e in range(E):
        be = be + (starts >= seg_end[0, e]).astype(jnp.int32)
    be_ref[...] = jnp.minimum(be, E - 1)
    valid_ref[...] = (starts < seg_end[0, E - 1]).astype(jnp.int32)


def _router(x, Wg_group, Wg_expert):
    return pl.pallas_call(
        _router_body,
        out_shape=(
            jax.ShapeDtypeStruct((N, 1), jnp.int32),
            jax.ShapeDtypeStruct((N, 1), jnp.int32),
            jax.ShapeDtypeStruct((N, 1), jnp.float32),
            jax.ShapeDtypeStruct((N, 1), jnp.float32),
            jax.ShapeDtypeStruct((1, NB), jnp.int32),
            jax.ShapeDtypeStruct((1, NB), jnp.int32),
        ),
    )(x, Wg_group, Wg_expert)



_SC_MESH = plsc.VectorSubcoreMesh(core_axis_name="c", subcore_axis_name="s")


@functools.partial(
    pl.kernel,
    out_type=jax.ShapeDtypeStruct((M, D), jnp.float32),
    mesh=_SC_MESH,
    scratch_types=[
        pltpu.VMEM((APW,), jnp.int32),
        pltpu.VMEM((APW,), jnp.int32),
        pltpu.VMEM((APW, D), jnp.float32),
        pltpu.SemaphoreType.DMA,
    ],
)
def _dispatch(x_hbm, p0_hbm, p1_hbm, xs_hbm, pos_v, tok_v, rows_v, sem):
    wid = lax.axis_index("s") * 2 + lax.axis_index("c")
    tbase = lax.bitwise_and(wid, NWORK // 2 - 1) * APW

    @pl.when(wid < NWORK // 2)
    def _():
        pltpu.sync_copy(p0_hbm.at[pl.ds(tbase, APW)], pos_v)

    @pl.when(wid >= NWORK // 2)
    def _():
        pltpu.sync_copy(p1_hbm.at[pl.ds(tbase, APW)], pos_v)

    for j in range(APW // 16):
        tok_v[pl.ds(j * 16, 16)] = lax.iota(jnp.int32, 16) + (tbase + j * 16)
    pltpu.async_copy(x_hbm.at[tok_v], rows_v, sem).wait()
    pltpu.async_copy(rows_v, xs_hbm.at[pos_v], sem).wait()



def _w2r_body(w2_ref, b2_ref, wrt_ref, br_ref, w2r_ref, b2r_ref):
    w2r_ref[0] = lax.dot_general(wrt_ref[...], w2_ref[0],
                                 (((1,), (1,)), ((), ())))
    b2r = jnp.sum(b2_ref[0] * wrt_ref[...]) + jnp.sum(br_ref[...])
    b2r_ref[...] = b2r.reshape(1, 1, 1)


def _w2r(W2, b2, wrT, b_risk):
    return pl.pallas_call(
        _w2r_body,
        grid=(E,),
        in_specs=[
            pl.BlockSpec((1, DF, D), lambda e: (e, 0, 0)),
            pl.BlockSpec((1, 1, D), lambda e: (e, 0, 0)),
            pl.BlockSpec((1, D), lambda e: (0, 0)),
            pl.BlockSpec((1, 1), lambda e: (0, 0)),
        ],
        out_specs=(
            pl.BlockSpec((1, 1, DF), lambda e: (e, 0, 0)),
            pl.BlockSpec((1, 1, 1), lambda e: (e, 0, 0)),
        ),
        out_shape=(
            jax.ShapeDtypeStruct((E, 1, DF), jnp.float32),
            jax.ShapeDtypeStruct((E, 1, 1), jnp.float32),
        ),
    )(W2, b2.reshape(E, 1, D), wrT, b_risk.reshape(1, 1))



def _ffn_body(be_ref, valid_ref, xs_ref, w1_ref, b1_ref, w2r_ref, b2r_ref,
              out_ref):
    i = pl.program_id(0)

    @pl.when(valid_ref[0, i] > 0)
    def _():
        xb = xs_ref[...]
        h = jnp.dot(xb, w1_ref[0], preferred_element_type=jnp.float32)
        h = jax.nn.gelu(h + b1_ref[0])
        z = jnp.sum(h * w2r_ref[0], axis=1) + jnp.sum(b2r_ref[...])
        out_ref[...] = z[:, None]


def _ffn(block_expert, valid, xs, W1, b1, w2r, b2r):
    grid_spec = pltpu.PrefetchScalarGridSpec(
        num_scalar_prefetch=2,
        grid=(NB,),
        in_specs=[
            pl.BlockSpec((BLK, D), lambda i, be, va: (i, 0)),
            pl.BlockSpec((1, D, DF), lambda i, be, va: (be[0, i], 0, 0)),
            pl.BlockSpec((1, 1, DF), lambda i, be, va: (be[0, i], 0, 0)),
            pl.BlockSpec((1, 1, DF), lambda i, be, va: (be[0, i], 0, 0)),
            pl.BlockSpec((1, 1, 1), lambda i, be, va: (be[0, i], 0, 0)),
        ],
        out_specs=pl.BlockSpec((BLK, 1), lambda i, be, va: (i, 0)),
    )
    return pl.pallas_call(
        _ffn_body,
        grid_spec=grid_spec,
        out_shape=jax.ShapeDtypeStruct((M, 1), jnp.float32),
    )(block_expert, valid, xs, W1, b1.reshape(E, 1, DF), w2r, b2r)



@functools.partial(
    pl.kernel,
    out_type=jax.ShapeDtypeStruct((N,), jnp.float32),
    mesh=_SC_MESH,
    scratch_types=[
        pltpu.VMEM((TPW,), jnp.int32),
        pltpu.VMEM((TPW,), jnp.int32),
        pltpu.VMEM((TPW,), jnp.float32),
        pltpu.VMEM((TPW,), jnp.float32),
        pltpu.VMEM((TPW,), jnp.float32),
        pltpu.VMEM((TPW,), jnp.float32),
        pltpu.VMEM((TPW,), jnp.float32),
        pltpu.SemaphoreType.DMA,
    ],
)
def _combine(z_hbm, p0_hbm, p1_hbm, g0_hbm, g1_hbm, out_hbm,
             p0_v, p1_v, z0_v, z1_v, g0_v, g1_v, r_v, sem):
    wid = lax.axis_index("s") * 2 + lax.axis_index("c")
    base = wid * TPW
    pltpu.sync_copy(p0_hbm.at[pl.ds(base, TPW)], p0_v)
    pltpu.sync_copy(p1_hbm.at[pl.ds(base, TPW)], p1_v)
    pltpu.sync_copy(g0_hbm.at[pl.ds(base, TPW)], g0_v)
    pltpu.sync_copy(g1_hbm.at[pl.ds(base, TPW)], g1_v)
    pltpu.async_copy(z_hbm.at[p0_v], z0_v, sem).wait()
    pltpu.async_copy(z_hbm.at[p1_v], z1_v, sem).wait()
    for j in range(TPW // 16):
        sl = pl.ds(j * 16, 16)
        r_v[sl] = g0_v[sl] * z0_v[sl] + g1_v[sl] * z1_v[sl]
    pltpu.sync_copy(r_v, out_hbm.at[pl.ds(base, TPW)])



def kernel(x, Wg_group, Wg_expert, W1, b1, W2, b2, W_risk, b_risk):
    pos0, pos1, g0, g1, block_expert, valid = _router(x, Wg_group, Wg_expert)
    p0, p1 = pos0.reshape(N), pos1.reshape(N)
    w2r, b2r = _w2r(W2, b2, W_risk.reshape(1, D), b_risk)
    xs = _dispatch(x, p0, p1)
    z = _ffn(block_expert, valid, xs, W1, b1, w2r, b2r)
    risk = _combine(z.reshape(M), p0, p1, g0.reshape(N), g1.reshape(N))
    return risk

# --- scband reference (transcript-rebuilt; emitter-appended) ---
"""Pipeline reference for scband-endpoint-task-model-17291538334404 (READ-ONLY COPY).

The authoritative reference and input builder live on the scoring server;
editing this copy changes nothing except your own understanding.
"""

import jax, jax.numpy as jnp
import numpy as np

N, D, E, G, DF, TOPK = 2048, 768, 8, 2, 1536, 2

def setup_inputs(seed: int = 0) -> dict:
    key = jax.random.key(seed)
    ks = jax.random.split(key, 10)
    s = 0.02
    return {
        "x": jax.random.normal(ks[0], (N, D), dtype=jnp.float32),
        "Wg_group": jax.random.normal(ks[1], (D, G), dtype=jnp.float32) * s,
        "Wg_expert": jax.random.normal(ks[2], (D, E), dtype=jnp.float32) * s,
        "W1": jax.random.normal(ks[3], (E, D, DF), dtype=jnp.float32) * s,
        "b1": jnp.zeros((E, DF), dtype=jnp.float32),
        "W2": jax.random.normal(ks[4], (E, DF, D), dtype=jnp.float32) * s,
        "b2": jnp.zeros((E, D), dtype=jnp.float32),
        "W_risk": jax.random.normal(ks[5], (D, 1), dtype=jnp.float32) * s,
        "b_risk": jnp.zeros((1,), dtype=jnp.float32),
    }

def reference(x, Wg_group, Wg_expert, W1, b1, W2, b2, W_risk, b_risk):
    n = x.shape[0]
    g = Wg_group.shape[1]
    e = Wg_expert.shape[1]
    eg = e // g
    # Hierarchical router: group-level softmax times within-group expert softmax
    group_logits = x @ Wg_group                     # [N, G]
    expert_logits = (x @ Wg_expert).reshape(n, g, eg)  # [N, G, Eg]
    p_group = jax.nn.softmax(group_logits, axis=-1)
    p_expert = jax.nn.softmax(expert_logits, axis=-1)
    probs = (p_group[:, :, None] * p_expert).reshape(n, e)  # [N, E]
    # Top-k expert selection + renormalized gates (scatter back to dense gate matrix)
    top_vals, top_idx = jax.lax.top_k(probs, TOPK)
    top_vals = top_vals / (jnp.sum(top_vals, axis=-1, keepdims=True) + 1e-9)
    gates = jnp.zeros((n, e), dtype=x.dtype).at[jnp.arange(n)[:, None], top_idx].set(top_vals)
    # Expert FFNs (dense reference: all experts computed, combined by sparse gates)
    h = jnp.einsum('nd,edf->nef', x, W1) + b1[None]
    h = jax.nn.gelu(h)
    y = jnp.einsum('nef,efd->ned', h, W2) + b2[None]
    patient_embedding = jnp.einsum('ne,ned->nd', gates, y)  # fusion output
    # risk head
    risk = (patient_embedding @ W_risk + b_risk).squeeze(-1)  # [N]
    return risk

if __name__ == "__main__":
    import jax
    _d = setup_inputs()
    print(jax.jit(kernel)(*tuple(_d.values())))

</pallas_src>

<mosaic_0001>
#map = affine_map<(d0, d1) -> (0)>
module attributes {stable_mosaic.version = 14 : i64} {
  func.func @_combine(%arg0: i32, %arg1: i32, %arg2: memref<5120xf32, #tpu.memory_space<hbm>>, %arg3: memref<2048xi32, #tpu.memory_space<hbm>>, %arg4: memref<2048xi32, #tpu.memory_space<hbm>>, %arg5: memref<2048xf32, #tpu.memory_space<hbm>>, %arg6: memref<2048xf32, #tpu.memory_space<hbm>>, %arg7: memref<2048xf32, #tpu.memory_space<hbm>>, %arg8: memref<64xi32, #tpu.memory_space<vmem>>, %arg9: memref<64xi32, #tpu.memory_space<vmem>>, %arg10: memref<64xf32, #tpu.memory_space<vmem>>, %arg11: memref<64xf32, #tpu.memory_space<vmem>>, %arg12: memref<64xf32, #tpu.memory_space<vmem>>, %arg13: memref<64xf32, #tpu.memory_space<vmem>>, %arg14: memref<64xf32, #tpu.memory_space<vmem>>, %arg15: memref<!tpu.dma_semaphore, #tpu.memory_space<semaphore_mem>>) attributes {dimension_semantics = [#tpu.dimension_semantics<core_parallel>, #tpu.dimension_semantics<subcore_parallel>], iteration_bounds = array<i64: 2, 16>, scalar_prefetch = 0 : i64, scratch_operands = 8 : i64, tpu.core_type = #tpu.core_type<sc_vector_subcore>, window_params = [{transform_indices = #map}, {transform_indices = #map}, {transform_indices = #map}, {transform_indices = #map}, {transform_indices = #map}, {transform_indices = #map}]} {
    %mul3A = arith.constant 2 : i32
    %mul3A_0 = arith.muli %arg1, %mul3A : i32
    %add3A = arith.addi %mul3A_0, %arg0 : i32
    %mul3A_1 = arith.constant 64 : i32
    %mul3A_2 = arith.muli %add3A, %mul3A_1 : i32
    "tpu.region"() ({
      %run_scoped3A = tpu.sem_alloc : memref<!tpu.dma_semaphore, #tpu.memory_space<semaphore_mem>>
      %dma_start3A_83 = tpu.memref_slice %arg3[%mul3A_2] : memref<2048xi32, #tpu.memory_space<hbm>> -> memref<64xi32, #tpu.memory_space<hbm>>
      %dma_start3A_84 = tpu.memref_slice %arg3[%mul3A_2] : memref<2048xi32, #tpu.memory_space<hbm>> -> memref<64xi32, #tpu.memory_space<hbm>>
      tpu.enqueue_dma source(%dma_start3A_84 : memref<64xi32, #tpu.memory_space<hbm>>) target(%arg8 : memref<64xi32, #tpu.memory_space<vmem>>) target_semaphore(%run_scoped3A : memref<!tpu.dma_semaphore, #tpu.memory_space<semaphore_mem>>)
      %dma_wait3A_85 = tpu.memref_slice %arg3[%mul3A_2] : memref<2048xi32, #tpu.memory_space<hbm>> -> memref<64xi32, #tpu.memory_space<hbm>>
      %dma_wait3A_86 = tpu.memref_slice %arg3[%mul3A_2] : memref<2048xi32, #tpu.memory_space<hbm>> -> memref<64xi32, #tpu.memory_space<hbm>>
      tpu.wait_dma2 semaphore(%run_scoped3A : memref<!tpu.dma_semaphore, #tpu.memory_space<semaphore_mem>>) src(%dma_wait3A_86 : memref<64xi32, #tpu.memory_space<hbm>>) dst(%arg8 : memref<64xi32, #tpu.memory_space<vmem>>)
      tpu.yield
    }) : () -> ()
    "tpu.region"() ({
      %run_scoped3A = tpu.sem_alloc : memref<!tpu.dma_semaphore, #tpu.memory_space<semaphore_mem>>
      %dma_start3A_83 = tpu.memref_slice %arg4[%mul3A_2] : memref<2048xi32, #tpu.memory_space<hbm>> -> memref<64xi32, #tpu.memory_space<hbm>>
      %dma_start3A_84 = tpu.memref_slice %arg4[%mul3A_2] : memref<2048xi32, #tpu.memory_space<hbm>> -> memref<64xi32, #tpu.memory_space<hbm>>
      tpu.enqueue_dma source(%dma_start3A_84 : memref<64xi32, #tpu.memory_space<hbm>>) target(%arg9 : memref<64xi32, #tpu.memory_space<vmem>>) target_semaphore(%run_scoped3A : memref<!tpu.dma_semaphore, #tpu.memory_space<semaphore_mem>>)
      %dma_wait3A_85 = tpu.memref_slice %arg4[%mul3A_2] : memref<2048xi32, #tpu.memory_space<hbm>> -> memref<64xi32, #tpu.memory_space<hbm>>
      %dma_wait3A_86 = tpu.memref_slice %arg4[%mul3A_2] : memref<2048xi32, #tpu.memory_space<hbm>> -> memref<64xi32, #tpu.memory_space<hbm>>
      tpu.wait_dma2 semaphore(%run_scoped3A : memref<!tpu.dma_semaphore, #tpu.memory_space<semaphore_mem>>) src(%dma_wait3A_86 : memref<64xi32, #tpu.memory_space<hbm>>) dst(%arg9 : memref<64xi32, #tpu.memory_space<vmem>>)
      tpu.yield
    }) : () -> ()
    "tpu.region"() ({
      %run_scoped3A = tpu.sem_alloc : memref<!tpu.dma_semaphore, #tpu.memory_space<semaphore_mem>>
      %dma_start3A_83 = tpu.memref_slice %arg5[%mul3A_2] : memref<2048xf32, #tpu.memory_space<hbm>> -> memref<64xf32, #tpu.memory_space<hbm>>
      %dma_start3A_84 = tpu.memref_slice %arg5[%mul3A_2] : memref<2048xf32, #tpu.memory_space<hbm>> -> memref<64xf32, #tpu.memory_space<hbm>>
      tpu.enqueue_dma source(%dma_start3A_84 : memref<64xf32, #tpu.memory_space<hbm>>) target(%arg12 : memref<64xf32, #tpu.memory_space<vmem>>) target_semaphore(%run_scoped3A : memref<!tpu.dma_semaphore, #tpu.memory_space<semaphore_mem>>)
      %dma_wait3A_85 = tpu.memref_slice %arg5[%mul3A_2] : memref<2048xf32, #tpu.memory_space<hbm>> -> memref<64xf32, #tpu.memory_space<hbm>>
      %dma_wait3A_86 = tpu.memref_slice %arg5[%mul3A_2] : memref<2048xf32, #tpu.memory_space<hbm>> -> memref<64xf32, #tpu.memory_space<hbm>>
      tpu.wait_dma2 semaphore(%run_scoped3A : memref<!tpu.dma_semaphore, #tpu.memory_space<semaphore_mem>>) src(%dma_wait3A_86 : memref<64xf32, #tpu.memory_space<hbm>>) dst(%arg12 : memref<64xf32, #tpu.memory_space<vmem>>)
      tpu.yield
    }) : () -> ()
    "tpu.region"() ({
      %run_scoped3A = tpu.sem_alloc : memref<!tpu.dma_semaphore, #tpu.memory_space<semaphore_mem>>
      %dma_start3A_83 = tpu.memref_slice %arg6[%mul3A_2] : memref<2048xf32, #tpu.memory_space<hbm>> -> memref<64xf32, #tpu.memory_space<hbm>>
      %dma_start3A_84 = tpu.memref_slice %arg6[%mul3A_2] : memref<2048xf32, #tpu.memory_space<hbm>> -> memref<64xf32, #tpu.memory_space<hbm>>
      tpu.enqueue_dma source(%dma_start3A_84 : memref<64xf32, #tpu.memory_space<hbm>>) target(%arg13 : memref<64xf32, #tpu.memory_space<vmem>>) target_semaphore(%run_scoped3A : memref<!tpu.dma_semaphore, #tpu.memory_space<semaphore_mem>>)
      %dma_wait3A_85 = tpu.memref_slice %arg6[%mul3A_2] : memref<2048xf32, #tpu.memory_space<hbm>> -> memref<64xf32, #tpu.memory_space<hbm>>
      %dma_wait3A_86 = tpu.memref_slice %arg6[%mul3A_2] : memref<2048xf32, #tpu.memory_space<hbm>> -> memref<64xf32, #tpu.memory_space<hbm>>
      tpu.wait_dma2 semaphore(%run_scoped3A : memref<!tpu.dma_semaphore, #tpu.memory_space<semaphore_mem>>) src(%dma_wait3A_86 : memref<64xf32, #tpu.memory_space<hbm>>) dst(%arg13 : memref<64xf32, #tpu.memory_space<vmem>>)
      tpu.yield
    }) : () -> ()
    %dma_start3A = arith.constant 0 : i32
    %dma_start3A_3 = tpu.memref_slice %arg2[%dma_start3A] : memref<5120xf32, #tpu.memory_space<hbm>> -> memref<5120xf32, #tpu.memory_space<hbm>>
    tpu.enqueue_indirect_dma source(%dma_start3A_3 : memref<5120xf32, #tpu.memory_space<hbm>>) target(%arg10 : memref<64xf32, #tpu.memory_space<vmem>>) offsets(%arg8 : memref<64xi32, #tpu.memory_space<vmem>>) semaphore(%arg15 : memref<!tpu.dma_semaphore, #tpu.memory_space<semaphore_mem>>)
    %dma_wait3A = arith.constant 0 : i32
    %dma_wait3A_4 = tpu.memref_slice %arg2[%dma_wait3A] : memref<5120xf32, #tpu.memory_space<hbm>> -> memref<5120xf32, #tpu.memory_space<hbm>>
    tpu.wait_indirect_dma semaphore(%arg15 : memref<!tpu.dma_semaphore, #tpu.memory_space<semaphore_mem>>) src(%dma_wait3A_4 : memref<5120xf32, #tpu.memory_space<hbm>>) dst(%arg10 : memref<64xf32, #tpu.memory_space<vmem>>)
    %dma_start3A_5 = arith.constant 0 : i32
    %dma_start3A_6 = tpu.memref_slice %arg2[%dma_start3A_5] : memref<5120xf32, #tpu.memory_space<hbm>> -> memref<5120xf32, #tpu.memory_space<hbm>>
    tpu.enqueue_indirect_dma source(%dma_start3A_6 : memref<5120xf32, #tpu.memory_space<hbm>>) target(%arg11 : memref<64xf32, #tpu.memory_space<vmem>>) offsets(%arg9 : memref<64xi32, #tpu.memory_space<vmem>>) semaphore(%arg15 : memref<!tpu.dma_semaphore, #tpu.memory_space<semaphore_mem>>)
    %dma_wait3A_7 = arith.constant 0 : i32
    %dma_wait3A_8 = tpu.memref_slice %arg2[%dma_wait3A_7] : memref<5120xf32, #tpu.memory_space<hbm>> -> memref<5120xf32, #tpu.memory_space<hbm>>
    tpu.wait_indirect_dma semaphore(%arg15 : memref<!tpu.dma_semaphore, #tpu.memory_space<semaphore_mem>>) src(%dma_wait3A_8 : memref<5120xf32, #tpu.memory_space<hbm>>) dst(%arg11 : memref<64xf32, #tpu.memory_space<vmem>>)
    %get3A = arith.constant 0 : index
    %get3A_9 = tpu.vector_load %arg12[%get3A] {strides = array<i32>} : memref<64xf32, #tpu.memory_space<vmem>>, vector<16xf32>,
    %get3A_10 = vector.shape_cast %get3A_9 : vector<16xf32> to vector<16xf32>
    %get3A_11 = arith.constant 0 : index
    %get3A_12 = tpu.vector_load %arg10[%get3A_11] {strides = array<i32>} : memref<64xf32, #tpu.memory_space<vmem>>, vector<16xf32>,
    %get3A_13 = vector.shape_cast %get3A_12 : vector<16xf32> to vector<16xf32>
    %mul3A_14 = arith.mulf %get3A_10, %get3A_13 : vector<16xf32>
    %get3A_15 = arith.constant 0 : index
    %get3A_16 = tpu.vector_load %arg13[%get3A_15] {strides = array<i32>} : memref<64xf32, #tpu.memory_space<vmem>>, vector<16xf32>,
    %get3A_17 = vector.shape_cast %get3A_16 : vector<16xf32> to vector<16xf32>
    %get3A_18 = arith.constant 0 : index
    %get3A_19 = tpu.vector_load %arg11[%get3A_18] {strides = array<i32>} : memref<64xf32, #tpu.memory_space<vmem>>, vector<16xf32>,
    %get3A_20 = vector.shape_cast %get3A_19 : vector<16xf32> to vector<16xf32>
    %mul3A_21 = arith.mulf %get3A_17, %get3A_20 : vector<16xf32>
    %add3A_22 = arith.addf %mul3A_14, %mul3A_21 : vector<16xf32>
    %swap3A = arith.constant 0 : index
    %swap3A_23 = tpu.vector_load %arg14[%swap3A] {strides = array<i32>} : memref<64xf32, #tpu.memory_space<vmem>>, vector<16xf32>,
    %swap3A_24 = vector.shape_cast %swap3A_23 : vector<16xf32> to vector<16xf32>
    %swap3A_25 = vector.shape_cast %add3A_22 : vector<16xf32> to vector<16xf32>
    tpu.vector_store %arg14[%swap3A], %swap3A_25 {strides = array<i32>} : memref<64xf32, #tpu.memory_space<vmem>>, vector<16xf32>,
    %get3A_26 = arith.constant 16 : index
    %get3A_27 = tpu.vector_load %arg12[%get3A_26] {strides = array<i32>} : memref<64xf32, #tpu.memory_space<vmem>>, vector<16xf32>,
    %get3A_28 = vector.shape_cast %get3A_27 : vector<16xf32> to vector<16xf32>
    %get3A_29 = arith.constant 16 : index
    %get3A_30 = tpu.vector_load %arg10[%get3A_29] {strides = array<i32>} : memref<64xf32, #tpu.memory_space<vmem>>, vector<16xf32>,
    %get3A_31 = vector.shape_cast %get3A_30 : vector<16xf32> to vector<16xf32>
    %mul3A_32 = arith.mulf %get3A_28, %get3A_31 : vector<16xf32>
    %get3A_33 = arith.constant 16 : index
    %get3A_34 = tpu.vector_load %arg13[%get3A_33] {strides = array<i32>} : memref<64xf32, #tpu.memory_space<vmem>>, vector<16xf32>,
    %get3A_35 = vector.shape_cast %get3A_34 : vector<16xf32> to vector<16xf32>
    %get3A_36 = arith.constant 16 : index
    %get3A_37 = tpu.vector_load %arg11[%get3A_36] {strides = array<i32>} : memref<64xf32, #tpu.memory_space<vmem>>, vector<16xf32>,
    %get3A_38 = vector.shape_cast %get3A_37 : vector<16xf32> to vector<16xf32>
    %mul3A_39 = arith.mulf %get3A_35, %get3A_38 : vector<16xf32>
    %add3A_40 = arith.addf %mul3A_32, %mul3A_39 : vector<16xf32>
    %swap3A_41 = arith.constant 16 : index
    %swap3A_42 = tpu.vector_load %arg14[%swap3A_41] {strides = array<i32>} : memref<64xf32, #tpu.memory_space<vmem>>, vector<16xf32>,
    %swap3A_43 = vector.shape_cast %swap3A_42 : vector<16xf32> to vector<16xf32>
    %swap3A_44 = vector.shape_cast %add3A_40 : vector<16xf32> to vector<16xf32>
    tpu.vector_store %arg14[%swap3A_41], %swap3A_44 {strides = array<i32>} : memref<64xf32, #tpu.memory_space<vmem>>, vector<16xf32>,
    %get3A_45 = arith.constant 32 : index
    %get3A_46 = tpu.vector_load %arg12[%get3A_45] {strides = array<i32>} : memref<64xf32, #tpu.memory_space<vmem>>, vector<16xf32>,
    %get3A_47 = vector.shape_cast %get3A_46 : vector<16xf32> to vector<16xf32>
    %get3A_48 = arith.constant 32 : index
    %get3A_49 = tpu.vector_load %arg10[%get3A_48] {strides = array<i32>} : memref<64xf32, #tpu.memory_space<vmem>>, vector<16xf32>,
    %get3A_50 = vector.shape_cast %get3A_49 : vector<16xf32> to vector<16xf32>
    %mul3A_51 = arith.mulf %get3A_47, %get3A_50 : vector<16xf32>
    %get3A_52 = arith.constant 32 : index
    %get3A_53 = tpu.vector_load %arg13[%get3A_52] {strides = array<i32>} : memref<64xf32, #tpu.memory_space<vmem>>, vector<16xf32>,
    %get3A_54 = vector.shape_cast %get3A_53 : vector<16xf32> to vector<16xf32>
    %get3A_55 = arith.constant 32 : index
    %get3A_56 = tpu.vector_load %arg11[%get3A_55] {strides = array<i32>} : memref<64xf32, #tpu.memory_space<vmem>>, vector<16xf32>,
    %get3A_57 = vector.shape_cast %get3A_56 : vector<16xf32> to vector<16xf32>
    %mul3A_58 = arith.mulf %get3A_54, %get3A_57 : vector<16xf32>
    %add3A_59 = arith.addf %mul3A_51, %mul3A_58 : vector<16xf32>
    %swap3A_60 = arith.constant 32 : index
    %swap3A_61 = tpu.vector_load %arg14[%swap3A_60] {strides = array<i32>} : memref<64xf32, #tpu.memory_space<vmem>>, vector<16xf32>,
    %swap3A_62 = vector.shape_cast %swap3A_61 : vector<16xf32> to vector<16xf32>
    %swap3A_63 = vector.shape_cast %add3A_59 : vector<16xf32> to vector<16xf32>
    tpu.vector_store %arg14[%swap3A_60], %swap3A_63 {strides = array<i32>} : memref<64xf32, #tpu.memory_space<vmem>>, vector<16xf32>,
    %get3A_64 = arith.constant 48 : index
    %get3A_65 = tpu.vector_load %arg12[%get3A_64] {strides = array<i32>} : memref<64xf32, #tpu.memory_space<vmem>>, vector<16xf32>,
    %get3A_66 = vector.shape_cast %get3A_65 : vector<16xf32> to vector<16xf32>
    %get3A_67 = arith.constant 48 : index
    %get3A_68 = tpu.vector_load %arg10[%get3A_67] {strides = array<i32>} : memref<64xf32, #tpu.memory_space<vmem>>, vector<16xf32>,
    %get3A_69 = vector.shape_cast %get3A_68 : vector<16xf32> to vector<16xf32>
    %mul3A_70 = arith.mulf %get3A_66, %get3A_69 : vector<16xf32>
    %get3A_71 = arith.constant 48 : index
    %get3A_72 = tpu.vector_load %arg13[%get3A_71] {strides = array<i32>} : memref<64xf32, #tpu.memory_space<vmem>>, vector<16xf32>,
    %get3A_73 = vector.shape_cast %get3A_72 : vector<16xf32> to vector<16xf32>
    %get3A_74 = arith.constant 48 : index
    %get3A_75 = tpu.vector_load %arg11[%get3A_74] {strides = array<i32>} : memref<64xf32, #tpu.memory_space<vmem>>, vector<16xf32>,
    %get3A_76 = vector.shape_cast %get3A_75 : vector<16xf32> to vector<16xf32>
    %mul3A_77 = arith.mulf %get3A_73, %get3A_76 : vector<16xf32>
    %add3A_78 = arith.addf %mul3A_70, %mul3A_77 : vector<16xf32>
    %swap3A_79 = arith.constant 48 : index
    %swap3A_80 = tpu.vector_load %arg14[%swap3A_79] {strides = array<i32>} : memref<64xf32, #tpu.memory_space<vmem>>, vector<16xf32>,
    %swap3A_81 = vector.shape_cast %swap3A_80 : vector<16xf32> to vector<16xf32>
    %swap3A_82 = vector.shape_cast %add3A_78 : vector<16xf32> to vector<16xf32>
    tpu.vector_store %arg14[%swap3A_79], %swap3A_82 {strides = array<i32>} : memref<64xf32, #tpu.memory_space<vmem>>, vector<16xf32>,
    "tpu.region"() ({
      %run_scoped3A = tpu.sem_alloc : memref<!tpu.dma_semaphore, #tpu.memory_space<semaphore_mem>>
      %dma_start3A_83 = tpu.memref_slice %arg7[%mul3A_2] : memref<2048xf32, #tpu.memory_space<hbm>> -> memref<64xf32, #tpu.memory_space<hbm>>
      %dma_start3A_84 = tpu.memref_slice %arg7[%mul3A_2] : memref<2048xf32, #tpu.memory_space<hbm>> -> memref<64xf32, #tpu.memory_space<hbm>>
      tpu.enqueue_dma source(%arg14 : memref<64xf32, #tpu.memory_space<vmem>>) target(%dma_start3A_84 : memref<64xf32, #tpu.memory_space<hbm>>) target_semaphore(%run_scoped3A : memref<!tpu.dma_semaphore, #tpu.memory_space<semaphore_mem>>)
      %dma_wait3A_85 = tpu.memref_slice %arg7[%mul3A_2] : memref<2048xf32, #tpu.memory_space<hbm>> -> memref<64xf32, #tpu.memory_space<hbm>>
      %dma_wait3A_86 = tpu.memref_slice %arg7[%mul3A_2] : memref<2048xf32, #tpu.memory_space<hbm>> -> memref<64xf32, #tpu.memory_space<hbm>>
      tpu.wait_dma2 semaphore(%run_scoped3A : memref<!tpu.dma_semaphore, #tpu.memory_space<semaphore_mem>>) src(%arg14 : memref<64xf32, #tpu.memory_space<vmem>>) dst(%dma_wait3A_86 : memref<64xf32, #tpu.memory_space<hbm>>)
      tpu.yield
    }) : () -> ()
    return
  }
}

#map = affine_map<(d0, d1) -> (0, 0)>
#map1 = affine_map<(d0, d1) -> (0)>
module attributes {stable_mosaic.version = 14 : i64} {
  func.func @_dispatch(%arg0: i32, %arg1: i32, %arg2: memref<2048x768xf32, #tpu.memory_space<hbm>>, %arg3: memref<2048xi32, #tpu.memory_space<hbm>>, %arg4: memref<2048xi32, #tpu.memory_space<hbm>>, %arg5: memref<5120x768xf32, #tpu.memory_space<hbm>>, %arg6: memref<128xi32, #tpu.memory_space<vmem>>, %arg7: memref<128xi32, #tpu.memory_space<vmem>>, %arg8: memref<128x768xf32, #tpu.memory_space<vmem>>, %arg9: memref<!tpu.dma_semaphore, #tpu.memory_space<semaphore_mem>>) attributes {dimension_semantics = [#tpu.dimension_semantics<core_parallel>, #tpu.dimension_semantics<subcore_parallel>], iteration_bounds = array<i64: 2, 16>, scalar_prefetch = 0 : i64, scratch_operands = 4 : i64, tpu.core_type = #tpu.core_type<sc_vector_subcore>, window_params = [{transform_indices = #map}, {transform_indices = #map1}, {transform_indices = #map1}, {transform_indices = #map}]} {
    %mul3A = arith.constant 2 : i32
    %mul3A_0 = arith.muli %arg1, %mul3A : i32
    %add3A = arith.addi %mul3A_0, %arg0 : i32
    %and3A = arith.constant 15 : i32
    %and3A_1 = arith.andi %add3A, %and3A : i32
    %mul3A_2 = arith.constant 128 : i32
    %mul3A_3 = arith.muli %and3A_1, %mul3A_2 : i32
    %lt3A = arith.constant 16 : i32
    %lt3A_4 = arith.cmpi slt, %add3A, %lt3A : i32
    %convert_element_type3A = arith.extui %lt3A_4 : i1 to i32
    %cond3A = arith.constant 0 : i32
    %cond3A_5 = arith.cmpi ne, %convert_element_type3A, %cond3A : i32
    scf.if %cond3A_5 {
      "tpu.region"() ({
        %run_scoped3A = tpu.sem_alloc : memref<!tpu.dma_semaphore, #tpu.memory_space<semaphore_mem>>
        %dma_start3A_90 = tpu.memref_slice %arg3[%mul3A_3] : memref<2048xi32, #tpu.memory_space<hbm>> -> memref<128xi32, #tpu.memory_space<hbm>>
        %dma_start3A_91 = tpu.memref_slice %arg3[%mul3A_3] : memref<2048xi32, #tpu.memory_space<hbm>> -> memref<128xi32, #tpu.memory_space<hbm>>
        tpu.enqueue_dma source(%dma_start3A_91 : memref<128xi32, #tpu.memory_space<hbm>>) target(%arg6 : memref<128xi32, #tpu.memory_space<vmem>>) target_semaphore(%run_scoped3A : memref<!tpu.dma_semaphore, #tpu.memory_space<semaphore_mem>>)
        %dma_wait3A_92 = tpu.memref_slice %arg3[%mul3A_3] : memref<2048xi32, #tpu.memory_space<hbm>> -> memref<128xi32, #tpu.memory_space<hbm>>
        %dma_wait3A_93 = tpu.memref_slice %arg3[%mul3A_3] : memref<2048xi32, #tpu.memory_space<hbm>> -> memref<128xi32, #tpu.memory_space<hbm>>
        tpu.wait_dma2 semaphore(%run_scoped3A : memref<!tpu.dma_semaphore, #tpu.memory_space<semaphore_mem>>) src(%dma_wait3A_93 : memref<128xi32, #tpu.memory_space<hbm>>) dst(%arg6 : memref<128xi32, #tpu.memory_space<vmem>>)
        tpu.yield
      }) : () -> ()
    } else {
    }
    %ge3A = arith.constant 16 : i32
    %ge3A_6 = arith.cmpi sge, %add3A, %ge3A : i32
    %convert_element_type3A_7 = arith.extui %ge3A_6 : i1 to i32
    %cond3A_8 = arith.constant 0 : i32
    %cond3A_9 = arith.cmpi ne, %convert_element_type3A_7, %cond3A_8 : i32
    scf.if %cond3A_9 {
      "tpu.region"() ({
        %run_scoped3A = tpu.sem_alloc : memref<!tpu.dma_semaphore, #tpu.memory_space<semaphore_mem>>
        %dma_start3A_90 = tpu.memref_slice %arg4[%mul3A_3] : memref<2048xi32, #tpu.memory_space<hbm>> -> memref<128xi32, #tpu.memory_space<hbm>>
        %dma_start3A_91 = tpu.memref_slice %arg4[%mul3A_3] : memref<2048xi32, #tpu.memory_space<hbm>> -> memref<128xi32, #tpu.memory_space<hbm>>
        tpu.enqueue_dma source(%dma_start3A_91 : memref<128xi32, #tpu.memory_space<hbm>>) target(%arg6 : memref<128xi32, #tpu.memory_space<vmem>>) target_semaphore(%run_scoped3A : memref<!tpu.dma_semaphore, #tpu.memory_space<semaphore_mem>>)
        %dma_wait3A_92 = tpu.memref_slice %arg4[%mul3A_3] : memref<2048xi32, #tpu.memory_space<hbm>> -> memref<128xi32, #tpu.memory_space<hbm>>
        %dma_wait3A_93 = tpu.memref_slice %arg4[%mul3A_3] : memref<2048xi32, #tpu.memory_space<hbm>> -> memref<128xi32, #tpu.memory_space<hbm>>
        tpu.wait_dma2 semaphore(%run_scoped3A : memref<!tpu.dma_semaphore, #tpu.memory_space<semaphore_mem>>) src(%dma_wait3A_93 : memref<128xi32, #tpu.memory_space<hbm>>) dst(%arg6 : memref<128xi32, #tpu.memory_space<vmem>>)
        tpu.yield
      }) : () -> ()
    } else {
    }
    %iota3A = tpu.iota {dimensions = array<i32: 0>} : vector<16xi32>
    %add3A_10 = arith.constant 0 : i32
    %add3A_11 = arith.addi %mul3A_3, %add3A_10 : i32
    %add3A_12 = vector.broadcast %add3A_11 : i32 to vector<16xi32>
    %add3A_13 = arith.addi %iota3A, %add3A_12 : vector<16xi32>
    %swap3A = arith.constant 0 : index
    %swap3A_14 = tpu.vector_load %arg7[%swap3A] {strides = array<i32>} : memref<128xi32, #tpu.memory_space<vmem>>, vector<16xi32>,
    %swap3A_15 = vector.shape_cast %swap3A_14 : vector<16xi32> to vector<16xi32>
    %swap3A_16 = vector.shape_cast %add3A_13 : vector<16xi32> to vector<16xi32>
    tpu.vector_store %arg7[%swap3A], %swap3A_16 {strides = array<i32>} : memref<128xi32, #tpu.memory_space<vmem>>, vector<16xi32>,
    %iota3A_17 = tpu.iota {dimensions = array<i32: 0>} : vector<16xi32>
    %add3A_18 = arith.constant 16 : i32
    %add3A_19 = arith.addi %mul3A_3, %add3A_18 : i32
    %add3A_20 = vector.broadcast %add3A_19 : i32 to vector<16xi32>
    %add3A_21 = arith.addi %iota3A_17, %add3A_20 : vector<16xi32>
    %swap3A_22 = arith.constant 16 : index
    %swap3A_23 = tpu.vector_load %arg7[%swap3A_22] {strides = array<i32>} : memref<128xi32, #tpu.memory_space<vmem>>, vector<16xi32>,
    %swap3A_24 = vector.shape_cast %swap3A_23 : vector<16xi32> to vector<16xi32>
    %swap3A_25 = vector.shape_cast %add3A_21 : vector<16xi32> to vector<16xi32>
    tpu.vector_store %arg7[%swap3A_22], %swap3A_25 {strides = array<i32>} : memref<128xi32, #tpu.memory_space<vmem>>, vector<16xi32>,
    %iota3A_26 = tpu.iota {dimensions = array<i32: 0>} : vector<16xi32>
    %add3A_27 = arith.constant 32 : i32
    %add3A_28 = arith.addi %mul3A_3, %add3A_27 : i32
    %add3A_29 = vector.broadcast %add3A_28 : i32 to vector<16xi32>
    %add3A_30 = arith.addi %iota3A_26, %add3A_29 : vector<16xi32>
    %swap3A_31 = arith.constant 32 : index
    %swap3A_32 = tpu.vector_load %arg7[%swap3A_31] {strides = array<i32>} : memref<128xi32, #tpu.memory_space<vmem>>, vector<16xi32>,
    %swap3A_33 = vector.shape_cast %swap3A_32 : vector<16xi32> to vector<16xi32>
    %swap3A_34 = vector.shape_cast %add3A_30 : vector<16xi32> to vector<16xi32>
    tpu.vector_store %arg7[%swap3A_31], %swap3A_34 {strides = array<i32>} : memref<128xi32, #tpu.memory_space<vmem>>, vector<16xi32>,
    %iota3A_35 = tpu.iota {dimensions = array<i32: 0>} : vector<16xi32>
    %add3A_36 = arith.constant 48 : i32
    %add3A_37 = arith.addi %mul3A_3, %add3A_36 : i32
    %add3A_38 = vector.broadcast %add3A_37 : i32 to vector<16xi32>
    %add3A_39 = arith.addi %iota3A_35, %add3A_38 : vector<16xi32>
    %swap3A_40 = arith.constant 48 : index
    %swap3A_41 = tpu.vector_load %arg7[%swap3A_40] {strides = array<i32>} : memref<128xi32, #tpu.memory_space<vmem>>, vector<16xi32>,
    %swap3A_42 = vector.shape_cast %swap3A_41 : vector<16xi32> to vector<16xi32>
    %swap3A_43 = vector.shape_cast %add3A_39 : vector<16xi32> to vector<16xi32>
    tpu.vector_store %arg7[%swap3A_40], %swap3A_43 {strides = array<i32>} : memref<128xi32, #tpu.memory_space<vmem>>, vector<16xi32>,
    %iota3A_44 = tpu.iota {dimensions = array<i32: 0>} : vector<16xi32>
    %add3A_45 = arith.constant 64 : i32
    %add3A_46 = arith.addi %mul3A_3, %add3A_45 : i32
    %add3A_47 = vector.broadcast %add3A_46 : i32 to vector<16xi32>
    %add3A_48 = arith.addi %iota3A_44, %add3A_47 : vector<16xi32>
    %swap3A_49 = arith.constant 64 : index
    %swap3A_50 = tpu.vector_load %arg7[%swap3A_49] {strides = array<i32>} : memref<128xi32, #tpu.memory_space<vmem>>, vector<16xi32>,
    %swap3A_51 = vector.shape_cast %swap3A_50 : vector<16xi32> to vector<16xi32>
    %swap3A_52 = vector.shape_cast %add3A_48 : vector<16xi32> to vector<16xi32>
    tpu.vector_store %arg7[%swap3A_49], %swap3A_52 {strides = array<i32>} : memref<128xi32, #tpu.memory_space<vmem>>, vector<16xi32>,
    %iota3A_53 = tpu.iota {dimensions = array<i32: 0>} : vector<16xi32>
    %add3A_54 = arith.constant 80 : i32
    %add3A_55 = arith.addi %mul3A_3, %add3A_54 : i32
    %add3A_56 = vector.broadcast %add3A_55 : i32 to vector<16xi32>
    %add3A_57 = arith.addi %iota3A_53, %add3A_56 : vector<16xi32>
    %swap3A_58 = arith.constant 80 : index
    %swap3A_59 = tpu.vector_load %arg7[%swap3A_58] {strides = array<i32>} : memref<128xi32, #tpu.memory_space<vmem>>, vector<16xi32>,
    %swap3A_60 = vector.shape_cast %swap3A_59 : vector<16xi32> to vector<16xi32>
    %swap3A_61 = vector.shape_cast %add3A_57 : vector<16xi32> to vector<16xi32>
    tpu.vector_store %arg7[%swap3A_58], %swap3A_61 {strides = array<i32>} : memref<128xi32, #tpu.memory_space<vmem>>, vector<16xi32>,
    %iota3A_62 = tpu.iota {dimensions = array<i32: 0>} : vector<16xi32>
    %add3A_63 = arith.constant 96 : i32
    %add3A_64 = arith.addi %mul3A_3, %add3A_63 : i32
    %add3A_65 = vector.broadcast %add3A_64 : i32 to vector<16xi32>
    %add3A_66 = arith.addi %iota3A_62, %add3A_65 : vector<16xi32>
    %swap3A_67 = arith.constant 96 : index
    %swap3A_68 = tpu.vector_load %arg7[%swap3A_67] {strides = array<i32>} : memref<128xi32, #tpu.memory_space<vmem>>, vector<16xi32>,
    %swap3A_69 = vector.shape_cast %swap3A_68 : vector<16xi32> to vector<16xi32>
    %swap3A_70 = vector.shape_cast %add3A_66 : vector<16xi32> to vector<16xi32>
    tpu.vector_store %arg7[%swap3A_67], %swap3A_70 {strides = array<i32>} : memref<128xi32, #tpu.memory_space<vmem>>, vector<16xi32>,
    %iota3A_71 = tpu.iota {dimensions = array<i32: 0>} : vector<16xi32>
    %add3A_72 = arith.constant 112 : i32
    %add3A_73 = arith.addi %mul3A_3, %add3A_72 : i32
    %add3A_74 = vector.broadcast %add3A_73 : i32 to vector<16xi32>
    %add3A_75 = arith.addi %iota3A_71, %add3A_74 : vector<16xi32>
    %swap3A_76 = arith.constant 112 : index
    %swap3A_77 = tpu.vector_load %arg7[%swap3A_76] {strides = array<i32>} : memref<128xi32, #tpu.memory_space<vmem>>, vector<16xi32>,
    %swap3A_78 = vector.shape_cast %swap3A_77 : vector<16xi32> to vector<16xi32>
    %swap3A_79 = vector.shape_cast %add3A_75 : vector<16xi32> to vector<16xi32>
    tpu.vector_store %arg7[%swap3A_76], %swap3A_79 {strides = array<i32>} : memref<128xi32, #tpu.memory_space<vmem>>, vector<16xi32>,
    %dma_start3A = arith.constant 0 : i32
    %dma_start3A_80 = arith.constant 0 : i32
    %dma_start3A_81 = tpu.memref_slice %arg2[%dma_start3A, %dma_start3A_80] : memref<2048x768xf32, #tpu.memory_space<hbm>> -> memref<2048x768xf32, #tpu.memory_space<hbm>>
    tpu.enqueue_indirect_dma source(%dma_start3A_81 : memref<2048x768xf32, #tpu.memory_space<hbm>>) target(%arg8 : memref<128x768xf32, #tpu.memory_space<vmem>>) offsets(%arg7 : memref<128xi32, #tpu.memory_space<vmem>>) semaphore(%arg9 : memref<!tpu.dma_semaphore, #tpu.memory_space<semaphore_mem>>)
    %dma_wait3A = arith.constant 0 : i32
    %dma_wait3A_82 = arith.constant 0 : i32
    %dma_wait3A_83 = tpu.memref_slice %arg2[%dma_wait3A, %dma_wait3A_82] : memref<2048x768xf32, #tpu.memory_space<hbm>> -> memref<2048x768xf32, #tpu.memory_space<hbm>>
    tpu.wait_indirect_dma semaphore(%arg9 : memref<!tpu.dma_semaphore, #tpu.memory_space<semaphore_mem>>) src(%dma_wait3A_83 : memref<2048x768xf32, #tpu.memory_space<hbm>>) dst(%arg8 : memref<128x768xf32, #tpu.memory_space<vmem>>)
    %dma_start3A_84 = arith.constant 0 : i32
    %dma_start3A_85 = arith.constant 0 : i32
    %dma_start3A_86 = tpu.memref_slice %arg5[%dma_start3A_84, %dma_start3A_85] : memref<5120x768xf32, #tpu.memory_space<hbm>> -> memref<5120x768xf32, #tpu.memory_space<hbm>>
    tpu.enqueue_indirect_dma source(%arg8 : memref<128x768xf32, #tpu.memory_space<vmem>>) target(%dma_start3A_86 : memref<5120x768xf32, #tpu.memory_space<hbm>>) offsets(%arg6 : memref<128xi32, #tpu.memory_space<vmem>>) semaphore(%arg9 : memref<!tpu.dma_semaphore, #tpu.memory_space<semaphore_mem>>)
    %dma_wait3A_87 = arith.constant 0 : i32
    %dma_wait3A_88 = arith.constant 0 : i32
    %dma_wait3A_89 = tpu.memref_slice %arg5[%dma_wait3A_87, %dma_wait3A_88] : memref<5120x768xf32, #tpu.memory_space<hbm>> -> memref<5120x768xf32, #tpu.memory_space<hbm>>
    tpu.wait_indirect_dma semaphore(%arg9 : memref<!tpu.dma_semaphore, #tpu.memory_space<semaphore_mem>>) src(%arg8 : memref<128x768xf32, #tpu.memory_space<vmem>>) dst(%dma_wait3A_89 : memref<5120x768xf32, #tpu.memory_space<hbm>>)
    return
  }
}

module attributes {stable_mosaic.version = 14 : i64} {
  func.func @_router_body(%arg0: memref<2048x768xf32, #tpu.memory_space<vmem>>, %arg1: memref<768x2xf32, #tpu.memory_space<vmem>>, %arg2: memref<768x8xf32, #tpu.memory_space<vmem>>, %arg3: memref<2048x1xi32, #tpu.memory_space<vmem>>, %arg4: memref<2048x1xi32, #tpu.memory_space<vmem>>, %arg5: memref<2048x1xf32, #tpu.memory_space<vmem>>, %arg6: memref<2048x1xf32, #tpu.memory_space<vmem>>, %arg7: memref<1x40xi32, #tpu.memory_space<vmem>>, %arg8: memref<1x40xi32, #tpu.memory_space<vmem>>) attributes {dimension_semantics = [], scalar_prefetch = 0 : i64, scratch_operands = 0 : i64, tpu.core_type = #tpu.core_type<tc>} {
    %get3A = arith.constant 0 : index
    %get3A_0 = arith.constant 0 : index
    %get3A_1 = vector.load %arg0[%get3A, %get3A_0] : memref<2048x768xf32, #tpu.memory_space<vmem>>, vector<2048x768xf32>
    %get3A_2 = arith.constant 0 : index
    %get3A_3 = arith.constant 0 : index
    %get3A_4 = vector.load %arg1[%get3A_2, %get3A_3] : memref<768x2xf32, #tpu.memory_space<vmem>>, vector<768x2xf32>
    %dot_general3A = arith.constant dense<0.000000e+00> : vector<2048x2xf32>
    %dot_general3A_5 = tpu.matmul %get3A_1, %get3A_4, %dot_general3A {dimension_numbers = #tpu.dot_dimension_numbers<[1], [0], [0], [1], [0, 0, 1, 1], [], []>, transpose_lhs_hint = false} : vector<2048x768xf32>, vector<768x2xf32>, vector<2048x2xf32> -> vector<2048x2xf32>
    %get3A_6 = arith.constant 0 : index
    %get3A_7 = arith.constant 0 : index
    %get3A_8 = vector.load %arg2[%get3A_6, %get3A_7] : memref<768x8xf32, #tpu.memory_space<vmem>>, vector<768x8xf32>
    %dot_general3A_9 = arith.constant dense<0.000000e+00> : vector<2048x8xf32>
    %dot_general3A_10 = tpu.matmul %get3A_1, %get3A_8, %dot_general3A_9 {dimension_numbers = #tpu.dot_dimension_numbers<[1], [0], [0], [1], [0, 0, 1, 1], [], []>, transpose_lhs_hint = false} : vector<2048x768xf32>, vector<768x8xf32>, vector<2048x8xf32> -> vector<2048x8xf32>
    %reduce_max3A = arith.constant dense<0xFF800000> : vector<2048xf32>
    %reduce_max3A_11 = vector.multi_reduction <maximumf>, %dot_general3A_5, %reduce_max3A [1] : vector<2048x2xf32> to vector<2048xf32>
    %max3A = arith.constant 0xFF800000 : f32
    %max3A_12 = vector.broadcast %max3A : f32 to vector<2048xf32>
    %max3A_13 = arith.maximumf %max3A_12, %reduce_max3A_11 : vector<2048xf32>
    %broadcast_in_dim3A = vector.shape_cast %max3A_13 : vector<2048xf32> to vector<2048x1xf32>
    %sub3A = vector.broadcast %broadcast_in_dim3A : vector<2048x1xf32> to vector<2048x2xf32>
    %sub3A_14 = arith.subf %dot_general3A_5, %sub3A : vector<2048x2xf32>
    %exp3A = math.exp %sub3A_14 : vector<2048x2xf32>
    %reduce_sum3A = arith.constant dense<0.000000e+00> : vector<2048xf32>
    %reduce_sum3A_15 = vector.multi_reduction <add>, %exp3A, %reduce_sum3A [1] : vector<2048x2xf32> to vector<2048xf32>
    %broadcast_in_dim3A_16 = vector.shape_cast %reduce_sum3A_15 : vector<2048xf32> to vector<2048x1xf32>
    %div3A = vector.broadcast %broadcast_in_dim3A_16 : vector<2048x1xf32> to vector<2048x2xf32>
    %div3A_17 = arith.divf %exp3A, %div3A : vector<2048x2xf32>
    %slice3A = vector.extract_strided_slice %dot_general3A_10 {offsets = [0, 0], sizes = [2048, 4], strides = [1, 1]} : vector<2048x8xf32> to vector<2048x4xf32>
    %reduce_max3A_18 = arith.constant dense<0xFF800000> : vector<2048xf32>
    %reduce_max3A_19 = vector.multi_reduction <maximumf>, %slice3A, %reduce_max3A_18 [1] : vector<2048x4xf32> to vector<2048xf32>
    %max3A_20 = arith.constant 0xFF800000 : f32
    %max3A_21 = vector.broadcast %max3A_20 : f32 to vector<2048xf32>
    %max3A_22 = arith.maximumf %max3A_21, %reduce_max3A_19 : vector<2048xf32>
    %broadcast_in_dim3A_23 = vector.shape_cast %max3A_22 : vector<2048xf32> to vector<2048x1xf32>
    %sub3A_24 = vector.broadcast %broadcast_in_dim3A_23 : vector<2048x1xf32> to vector<2048x4xf32>
    %sub3A_25 = arith.subf %slice3A, %sub3A_24 : vector<2048x4xf32>
    %exp3A_26 = math.exp %sub3A_25 : vector<2048x4xf32>
    %reduce_sum3A_27 = arith.constant dense<0.000000e+00> : vector<2048xf32>
    %reduce_sum3A_28 = vector.multi_reduction <add>, %exp3A_26, %reduce_sum3A_27 [1] : vector<2048x4xf32> to vector<2048xf32>
    %broadcast_in_dim3A_29 = vector.shape_cast %reduce_sum3A_28 : vector<2048xf32> to vector<2048x1xf32>
    %div3A_30 = vector.broadcast %broadcast_in_dim3A_29 : vector<2048x1xf32> to vector<2048x4xf32>
    %div3A_31 = arith.divf %exp3A_26, %div3A_30 : vector<2048x4xf32>
    %slice3A_32 = vector.extract_strided_slice %div3A_17 {offsets = [0, 0], sizes = [2048, 1], strides = [1, 1]} : vector<2048x2xf32> to vector<2048x1xf32>
    %mul3A = vector.broadcast %slice3A_32 : vector<2048x1xf32> to vector<2048x4xf32>
    %mul3A_33 = arith.mulf %div3A_31, %mul3A : vector<2048x4xf32>
    %slice3A_34 = vector.extract_strided_slice %dot_general3A_10 {offsets = [0, 4], sizes = [2048, 4], strides = [1, 1]} : vector<2048x8xf32> to vector<2048x4xf32>
    %reduce_max3A_35 = arith.constant dense<0xFF800000> : vector<2048xf32>
    %reduce_max3A_36 = vector.multi_reduction <maximumf>, %slice3A_34, %reduce_max3A_35 [1] : vector<2048x4xf32> to vector<2048xf32>
    %max3A_37 = arith.constant 0xFF800000 : f32
    %max3A_38 = vector.broadcast %max3A_37 : f32 to vector<2048xf32>
    %max3A_39 = arith.maximumf %max3A_38, %reduce_max3A_36 : vector<2048xf32>
    %broadcast_in_dim3A_40 = vector.shape_cast %max3A_39 : vector<2048xf32> to vector<2048x1xf32>
    %sub3A_41 = vector.broadcast %broadcast_in_dim3A_40 : vector<2048x1xf32> to vector<2048x4xf32>
    %sub3A_42 = arith.subf %slice3A_34, %sub3A_41 : vector<2048x4xf32>
    %exp3A_43 = math.exp %sub3A_42 : vector<2048x4xf32>
    %reduce_sum3A_44 = arith.constant dense<0.000000e+00> : vector<2048xf32>
    %reduce_sum3A_45 = vector.multi_reduction <add>, %exp3A_43, %reduce_sum3A_44 [1] : vector<2048x4xf32> to vector<2048xf32>
    %broadcast_in_dim3A_46 = vector.shape_cast %reduce_sum3A_45 : vector<2048xf32> to vector<2048x1xf32>
    %div3A_47 = vector.broadcast %broadcast_in_dim3A_46 : vector<2048x1xf32> to vector<2048x4xf32>
    %div3A_48 = arith.divf %exp3A_43, %div3A_47 : vector<2048x4xf32>
    %slice3A_49 = vector.extract_strided_slice %div3A_17 {offsets = [0, 1], sizes = [2048, 1], strides = [1, 1]} : vector<2048x2xf32> to vector<2048x1xf32>
    %mul3A_50 = vector.broadcast %slice3A_49 : vector<2048x1xf32> to vector<2048x4xf32>
    %mul3A_51 = arith.mulf %div3A_48, %mul3A_50 : vector<2048x4xf32>
    %concatenate3A = tpu.concatenate %mul3A_33, %mul3A_51 in 1 : vector<2048x4xf32>, vector<2048x4xf32> -> vector<2048x8xf32>
    %iota3A = tpu.iota {dimensions = array<i32: 1>} : vector<2048x8xi32>
    %reduce_max3A_52 = arith.constant dense<0xFF800000> : vector<2048xf32>
    %reduce_max3A_53 = vector.multi_reduction <maximumf>, %concatenate3A, %reduce_max3A_52 [1] : vector<2048x8xf32> to vector<2048xf32>
    %broadcast_in_dim3A_54 = vector.shape_cast %reduce_max3A_53 : vector<2048xf32> to vector<2048x1xf32>
    %eq3A = vector.broadcast %broadcast_in_dim3A_54 : vector<2048x1xf32> to vector<2048x8xf32>
    %eq3A_55 = arith.cmpf oeq, %concatenate3A, %eq3A : vector<2048x8xf32>
    %jit3A = arith.constant 8 : i32
    %broadcast_in_dim3A_56 = vector.broadcast %jit3A : i32 to vector<2048x8xi32>
    %select_n3A = arith.select %eq3A_55, %iota3A, %broadcast_in_dim3A_56 : vector<2048x8xi1>, vector<2048x8xi32>
    %reduce_min3A = arith.constant dense<2147483647> : vector<2048xi32>
    %reduce_min3A_57 = vector.multi_reduction <minsi>, %select_n3A, %reduce_min3A [1] : vector<2048x8xi32> to vector<2048xi32>
    %broadcast_in_dim3A_58 = vector.shape_cast %reduce_min3A_57 : vector<2048xi32> to vector<2048x1xi32>
    %eq3A_59 = vector.broadcast %broadcast_in_dim3A_58 : vector<2048x1xi32> to vector<2048x8xi32>
    %eq3A_60 = arith.cmpi eq, %iota3A, %eq3A_59 : vector<2048x8xi32>
    %jit3A_61 = arith.constant -1.000000e+00 : f32
    %broadcast_in_dim3A_62 = vector.broadcast %jit3A_61 : f32 to vector<2048x8xf32>
    %select_n3A_63 = arith.select %eq3A_60, %broadcast_in_dim3A_62, %concatenate3A : vector<2048x8xi1>, vector<2048x8xf32>
    %reduce_max3A_64 = arith.constant dense<0xFF800000> : vector<2048xf32>
    %reduce_max3A_65 = vector.multi_reduction <maximumf>, %select_n3A_63, %reduce_max3A_64 [1] : vector<2048x8xf32> to vector<2048xf32>
    %broadcast_in_dim3A_66 = vector.shape_cast %reduce_max3A_65 : vector<2048xf32> to vector<2048x1xf32>
    %eq3A_67 = vector.broadcast %broadcast_in_dim3A_66 : vector<2048x1xf32> to vector<2048x8xf32>
    %eq3A_68 = arith.cmpf oeq, %select_n3A_63, %eq3A_67 : vector<2048x8xf32>
    %jit3A_69 = arith.constant 8 : i32
    %broadcast_in_dim3A_70 = vector.broadcast %jit3A_69 : i32 to vector<2048x8xi32>
    %select_n3A_71 = arith.select %eq3A_68, %iota3A, %broadcast_in_dim3A_70 : vector<2048x8xi1>, vector<2048x8xi32>
    %reduce_min3A_72 = arith.constant dense<2147483647> : vector<2048xi32>
    %reduce_min3A_73 = vector.multi_reduction <minsi>, %select_n3A_71, %reduce_min3A_72 [1] : vector<2048x8xi32> to vector<2048xi32>
    %broadcast_in_dim3A_74 = vector.shape_cast %reduce_min3A_73 : vector<2048xi32> to vector<2048x1xi32>
    %add3A = arith.addf %broadcast_in_dim3A_54, %broadcast_in_dim3A_66 : vector<2048x1xf32>
    %add3A_75 = arith.constant 9.99999971E-10 : f32
    %add3A_76 = vector.broadcast %add3A_75 : f32 to vector<2048x1xf32>
    %add3A_77 = arith.addf %add3A, %add3A_76 : vector<2048x1xf32>
    %div3A_78 = arith.divf %broadcast_in_dim3A_54, %add3A_77 : vector<2048x1xf32>
    %swap3A = arith.constant 0 : index
    %swap3A_79 = arith.constant 0 : index
    %swap3A_80 = vector.load %arg5[%swap3A, %swap3A_79] : memref<2048x1xf32, #tpu.memory_space<vmem>>, vector<2048x1xf32>
    tpu.vector_store %arg5[%swap3A, %swap3A_79], %div3A_78 {strides = array<i32>} : memref<2048x1xf32, #tpu.memory_space<vmem>>, vector<2048x1xf32>,
    %div3A_81 = arith.divf %broadcast_in_dim3A_66, %add3A_77 : vector<2048x1xf32>
    %swap3A_82 = arith.constant 0 : index
    %swap3A_83 = arith.constant 0 : index
    %swap3A_84 = vector.load %arg6[%swap3A_82, %swap3A_83] : memref<2048x1xf32, #tpu.memory_space<vmem>>, vector<2048x1xf32>
    tpu.vector_store %arg6[%swap3A_82, %swap3A_83], %div3A_81 {strides = array<i32>} : memref<2048x1xf32, #tpu.memory_space<vmem>>, vector<2048x1xf32>,
    %eq3A_85 = vector.broadcast %broadcast_in_dim3A_58 : vector<2048x1xi32> to vector<2048x8xi32>
    %eq3A_86 = arith.cmpi eq, %iota3A, %eq3A_85 : vector<2048x8xi32>
    %convert_element_type3A = arith.extui %eq3A_86 : vector<2048x8xi1> to vector<2048x8xi32>
    %convert_element_type3A_87 = arith.sitofp %convert_element_type3A : vector<2048x8xi32> to vector<2048x8xf32>
    %eq3A_88 = vector.broadcast %broadcast_in_dim3A_74 : vector<2048x1xi32> to vector<2048x8xi32>
    %eq3A_89 = arith.cmpi eq, %iota3A, %eq3A_88 : vector<2048x8xi32>
    %convert_element_type3A_90 = arith.extui %eq3A_89 : vector<2048x8xi1> to vector<2048x8xi32>
    %convert_element_type3A_91 = arith.sitofp %convert_element_type3A_90 : vector<2048x8xi32> to vector<2048x8xf32>
    %add3A_92 = arith.addf %convert_element_type3A_87, %convert_element_type3A_91 : vector<2048x8xf32>
    %iota3A_93 = tpu.iota {dimensions = array<i32: 0>} : vector<128x128xi32>
    %iota3A_94 = tpu.iota {dimensions = array<i32: 1>} : vector<128x128xi32>
    %gt3A = arith.cmpi sgt, %iota3A_93, %iota3A_94 : vector<128x128xi32>
    %convert_element_type3A_95 = arith.extui %gt3A : vector<128x128xi1> to vector<128x128xi32>
    %convert_element_type3A_96 = arith.sitofp %convert_element_type3A_95 : vector<128x128xi32> to vector<128x128xf32>
    %broadcast_in_dim3A_97 = arith.constant 0.000000e+00 : f32
    %broadcast_in_dim3A_98 = vector.broadcast %broadcast_in_dim3A_97 : f32 to vector<1x8xf32>
    %slice3A_99 = vector.extract_strided_slice %add3A_92 {offsets = [0, 0], sizes = [128, 8], strides = [1, 1]} : vector<2048x8xf32> to vector<128x8xf32>
    %dot_general3A_100 = arith.constant dense<0.000000e+00> : vector<128x8xf32>
    %dot_general3A_101 = tpu.matmul %convert_element_type3A_96, %slice3A_99, %dot_general3A_100 {dimension_numbers = #tpu.dot_dimension_numbers<[1], [0], [0], [1], [0, 0, 1, 1], [], []>, transpose_lhs_hint = false} : vector<128x128xf32>, vector<128x8xf32>, vector<128x8xf32> -> vector<128x8xf32>
    %add3A_102 = vector.broadcast %broadcast_in_dim3A_98 : vector<1x8xf32> to vector<128x8xf32>
    %add3A_103 = arith.addf %dot_general3A_101, %add3A_102 : vector<128x8xf32>
    %reduce_sum3A_104 = arith.constant dense<0.000000e+00> : vector<8xf32>
    %reduce_sum3A_105 = vector.multi_reduction <add>, %slice3A_99, %reduce_sum3A_104 [0] : vector<128x8xf32> to vector<8xf32>
    %broadcast_in_dim3A_106 = vector.shape_cast %reduce_sum3A_105 : vector<8xf32> to vector<1x8xf32>
    %add3A_107 = arith.addf %broadcast_in_dim3A_98, %broadcast_in_dim3A_106 : vector<1x8xf32>
    %slice3A_108 = vector.extract_strided_slice %add3A_92 {offsets = [128, 0], sizes = [128, 8], strides = [1, 1]} : vector<2048x8xf32> to vector<128x8xf32>
    %dot_general3A_109 = arith.constant dense<0.000000e+00> : vector<128x8xf32>
    %dot_general3A_110 = tpu.matmul %convert_element_type3A_96, %slice3A_108, %dot_general3A_109 {dimension_numbers = #tpu.dot_dimension_numbers<[1], [0], [0], [1], [0, 0, 1, 1], [], []>, transpose_lhs_hint = false} : vector<128x128xf32>, vector<128x8xf32>, vector<128x8xf32> -> vector<128x8xf32>
    %add3A_111 = vector.broadcast %add3A_107 : vector<1x8xf32> to vector<128x8xf32>
    %add3A_112 = arith.addf %dot_general3A_110, %add3A_111 : vector<128x8xf32>
    %reduce_sum3A_113 = arith.constant dense<0.000000e+00> : vector<8xf32>
    %reduce_sum3A_114 = vector.multi_reduction <add>, %slice3A_108, %reduce_sum3A_113 [0] : vector<128x8xf32> to vector<8xf32>
    %broadcast_in_dim3A_115 = vector.shape_cast %reduce_sum3A_114 : vector<8xf32> to vector<1x8xf32>
    %add3A_116 = arith.addf %add3A_107, %broadcast_in_dim3A_115 : vector<1x8xf32>
    %slice3A_117 = vector.extract_strided_slice %add3A_92 {offsets = [256, 0], sizes = [128, 8], strides = [1, 1]} : vector<2048x8xf32> to vector<128x8xf32>
    %dot_general3A_118 = arith.constant dense<0.000000e+00> : vector<128x8xf32>
    %dot_general3A_119 = tpu.matmul %convert_element_type3A_96, %slice3A_117, %dot_general3A_118 {dimension_numbers = #tpu.dot_dimension_numbers<[1], [0], [0], [1], [0, 0, 1, 1], [], []>, transpose_lhs_hint = false} : vector<128x128xf32>, vector<128x8xf32>, vector<128x8xf32> -> vector<128x8xf32>
    %add3A_120 = vector.broadcast %add3A_116 : vector<1x8xf32> to vector<128x8xf32>
    %add3A_121 = arith.addf %dot_general3A_119, %add3A_120 : vector<128x8xf32>
    %reduce_sum3A_122 = arith.constant dense<0.000000e+00> : vector<8xf32>
    %reduce_sum3A_123 = vector.multi_reduction <add>, %slice3A_117, %reduce_sum3A_122 [0] : vector<128x8xf32> to vector<8xf32>
    %broadcast_in_dim3A_124 = vector.shape_cast %reduce_sum3A_123 : vector<8xf32> to vector<1x8xf32>
    %add3A_125 = arith.addf %add3A_116, %broadcast_in_dim3A_124 : vector<1x8xf32>
    %slice3A_126 = vector.extract_strided_slice %add3A_92 {offsets = [384, 0], sizes = [128, 8], strides = [1, 1]} : vector<2048x8xf32> to vector<128x8xf32>
    %dot_general3A_127 = arith.constant dense<0.000000e+00> : vector<128x8xf32>
    %dot_general3A_128 = tpu.matmul %convert_element_type3A_96, %slice3A_126, %dot_general3A_127 {dimension_numbers = #tpu.dot_dimension_numbers<[1], [0], [0], [1], [0, 0, 1, 1], [], []>, transpose_lhs_hint = false} : vector<128x128xf32>, vector<128x8xf32>, vector<128x8xf32> -> vector<128x8xf32>
    %add3A_129 = vector.broadcast %add3A_125 : vector<1x8xf32> to vector<128x8xf32>
    %add3A_130 = arith.addf %dot_general3A_128, %add3A_129 : vector<128x8xf32>
    %reduce_sum3A_131 = arith.constant dense<0.000000e+00> : vector<8xf32>
    %reduce_sum3A_132 = vector.multi_reduction <add>, %slice3A_126, %reduce_sum3A_131 [0] : vector<128x8xf32> to vector<8xf32>
    %broadcast_in_dim3A_133 = vector.shape_cast %reduce_sum3A_132 : vector<8xf32> to vector<1x8xf32>
    %add3A_134 = arith.addf %add3A_125, %broadcast_in_dim3A_133 : vector<1x8xf32>
    %slice3A_135 = vector.extract_strided_slice %add3A_92 {offsets = [512, 0], sizes = [128, 8], strides = [1, 1]} : vector<2048x8xf32> to vector<128x8xf32>
    %dot_general3A_136 = arith.constant dense<0.000000e+00> : vector<128x8xf32>
    %dot_general3A_137 = tpu.matmul %convert_element_type3A_96, %slice3A_135, %dot_general3A_136 {dimension_numbers = #tpu.dot_dimension_numbers<[1], [0], [0], [1], [0, 0, 1, 1], [], []>, transpose_lhs_hint = false} : vector<128x128xf32>, vector<128x8xf32>, vector<128x8xf32> -> vector<128x8xf32>
    %add3A_138 = vector.broadcast %add3A_134 : vector<1x8xf32> to vector<128x8xf32>
    %add3A_139 = arith.addf %dot_general3A_137, %add3A_138 : vector<128x8xf32>
    %reduce_sum3A_140 = arith.constant dense<0.000000e+00> : vector<8xf32>
    %reduce_sum3A_141 = vector.multi_reduction <add>, %slice3A_135, %reduce_sum3A_140 [0] : vector<128x8xf32> to vector<8xf32>
    %broadcast_in_dim3A_142 = vector.shape_cast %reduce_sum3A_141 : vector<8xf32> to vector<1x8xf32>
    %add3A_143 = arith.addf %add3A_134, %broadcast_in_dim3A_142 : vector<1x8xf32>
    %slice3A_144 = vector.extract_strided_slice %add3A_92 {offsets = [640, 0], sizes = [128, 8], strides = [1, 1]} : vector<2048x8xf32> to vector<128x8xf32>
    %dot_general3A_145 = arith.constant dense<0.000000e+00> : vector<128x8xf32>
    %dot_general3A_146 = tpu.matmul %convert_element_type3A_96, %slice3A_144, %dot_general3A_145 {dimension_numbers = #tpu.dot_dimension_numbers<[1], [0], [0], [1], [0, 0, 1, 1], [], []>, transpose_lhs_hint = false} : vector<128x128xf32>, vector<128x8xf32>, vector<128x8xf32> -> vector<128x8xf32>
    %add3A_147 = vector.broadcast %add3A_143 : vector<1x8xf32> to vector<128x8xf32>
    %add3A_148 = arith.addf %dot_general3A_146, %add3A_147 : vector<128x8xf32>
    %reduce_sum3A_149 = arith.constant dense<0.000000e+00> : vector<8xf32>
    %reduce_sum3A_150 = vector.multi_reduction <add>, %slice3A_144, %reduce_sum3A_149 [0] : vector<128x8xf32> to vector<8xf32>
    %broadcast_in_dim3A_151 = vector.shape_cast %reduce_sum3A_150 : vector<8xf32> to vector<1x8xf32>
    %add3A_152 = arith.addf %add3A_143, %broadcast_in_dim3A_151 : vector<1x8xf32>
    %slice3A_153 = vector.extract_strided_slice %add3A_92 {offsets = [768, 0], sizes = [128, 8], strides = [1, 1]} : vector<2048x8xf32> to vector<128x8xf32>
    %dot_general3A_154 = arith.constant dense<0.000000e+00> : vector<128x8xf32>
    %dot_general3A_155 = tpu.matmul %convert_element_type3A_96, %slice3A_153, %dot_general3A_154 {dimension_numbers = #tpu.dot_dimension_numbers<[1], [0], [0], [1], [0, 0, 1, 1], [], []>, transpose_lhs_hint = false} : vector<128x128xf32>, vector<128x8xf32>, vector<128x8xf32> -> vector<128x8xf32>
    %add3A_156 = vector.broadcast %add3A_152 : vector<1x8xf32> to vector<128x8xf32>
    %add3A_157 = arith.addf %dot_general3A_155, %add3A_156 : vector<128x8xf32>
    %reduce_sum3A_158 = arith.constant dense<0.000000e+00> : vector<8xf32>
    %reduce_sum3A_159 = vector.multi_reduction <add>, %slice3A_153, %reduce_sum3A_158 [0] : vector<128x8xf32> to vector<8xf32>
    %broadcast_in_dim3A_160 = vector.shape_cast %reduce_sum3A_159 : vector<8xf32> to vector<1x8xf32>
    %add3A_161 = arith.addf %add3A_152, %broadcast_in_dim3A_160 : vector<1x8xf32>
    %slice3A_162 = vector.extract_strided_slice %add3A_92 {offsets = [896, 0], sizes = [128, 8], strides = [1, 1]} : vector<2048x8xf32> to vector<128x8xf32>
    %dot_general3A_163 = arith.constant dense<0.000000e+00> : vector<128x8xf32>
    %dot_general3A_164 = tpu.matmul %convert_element_type3A_96, %slice3A_162, %dot_general3A_163 {dimension_numbers = #tpu.dot_dimension_numbers<[1], [0], [0], [1], [0, 0, 1, 1], [], []>, transpose_lhs_hint = false} : vector<128x128xf32>, vector<128x8xf32>, vector<128x8xf32> -> vector<128x8xf32>
    %add3A_165 = vector.broadcast %add3A_161 : vector<1x8xf32> to vector<128x8xf32>
    %add3A_166 = arith.addf %dot_general3A_164, %add3A_165 : vector<128x8xf32>
    %reduce_sum3A_167 = arith.constant dense<0.000000e+00> : vector<8xf32>
    %reduce_sum3A_168 = vector.multi_reduction <add>, %slice3A_162, %reduce_sum3A_167 [0] : vector<128x8xf32> to vector<8xf32>
    %broadcast_in_dim3A_169 = vector.shape_cast %reduce_sum3A_168 : vector<8xf32> to vector<1x8xf32>
    %add3A_170 = arith.addf %add3A_161, %broadcast_in_dim3A_169 : vector<1x8xf32>
    %slice3A_171 = vector.extract_strided_slice %add3A_92 {offsets = [1024, 0], sizes = [128, 8], strides = [1, 1]} : vector<2048x8xf32> to vector<128x8xf32>
    %dot_general3A_172 = arith.constant dense<0.000000e+00> : vector<128x8xf32>
    %dot_general3A_173 = tpu.matmul %convert_element_type3A_96, %slice3A_171, %dot_general3A_172 {dimension_numbers = #tpu.dot_dimension_numbers<[1], [0], [0], [1], [0, 0, 1, 1], [], []>, transpose_lhs_hint = false} : vector<128x128xf32>, vector<128x8xf32>, vector<128x8xf32> -> vector<128x8xf32>
    %add3A_174 = vector.broadcast %add3A_170 : vector<1x8xf32> to vector<128x8xf32>
    %add3A_175 = arith.addf %dot_general3A_173, %add3A_174 : vector<128x8xf32>
    %reduce_sum3A_176 = arith.constant dense<0.000000e+00> : vector<8xf32>
    %reduce_sum3A_177 = vector.multi_reduction <add>, %slice3A_171, %reduce_sum3A_176 [0] : vector<128x8xf32> to vector<8xf32>
    %broadcast_in_dim3A_178 = vector.shape_cast %reduce_sum3A_177 : vector<8xf32> to vector<1x8xf32>
    %add3A_179 = arith.addf %add3A_170, %broadcast_in_dim3A_178 : vector<1x8xf32>
    %slice3A_180 = vector.extract_strided_slice %add3A_92 {offsets = [1152, 0], sizes = [128, 8], strides = [1, 1]} : vector<2048x8xf32> to vector<128x8xf32>
    %dot_general3A_181 = arith.constant dense<0.000000e+00> : vector<128x8xf32>
    %dot_general3A_182 = tpu.matmul %convert_element_type3A_96, %slice3A_180, %dot_general3A_181 {dimension_numbers = #tpu.dot_dimension_numbers<[1], [0], [0], [1], [0, 0, 1, 1], [], []>, transpose_lhs_hint = false} : vector<128x128xf32>, vector<128x8xf32>, vector<128x8xf32> -> vector<128x8xf32>
    %add3A_183 = vector.broadcast %add3A_179 : vector<1x8xf32> to vector<128x8xf32>
    %add3A_184 = arith.addf %dot_general3A_182, %add3A_183 : vector<128x8xf32>
    %reduce_sum3A_185 = arith.constant dense<0.000000e+00> : vector<8xf32>
    %reduce_sum3A_186 = vector.multi_reduction <add>, %slice3A_180, %reduce_sum3A_185 [0] : vector<128x8xf32> to vector<8xf32>
    %broadcast_in_dim3A_187 = vector.shape_cast %reduce_sum3A_186 : vector<8xf32> to vector<1x8xf32>
    %add3A_188 = arith.addf %add3A_179, %broadcast_in_dim3A_187 : vector<1x8xf32>
    %slice3A_189 = vector.extract_strided_slice %add3A_92 {offsets = [1280, 0], sizes = [128, 8], strides = [1, 1]} : vector<2048x8xf32> to vector<128x8xf32>
    %dot_general3A_190 = arith.constant dense<0.000000e+00> : vector<128x8xf32>
    %dot_general3A_191 = tpu.matmul %convert_element_type3A_96, %slice3A_189, %dot_general3A_190 {dimension_numbers = #tpu.dot_dimension_numbers<[1], [0], [0], [1], [0, 0, 1, 1], [], []>, transpose_lhs_hint = false} : vector<128x128xf32>, vector<128x8xf32>, vector<128x8xf32> -> vector<128x8xf32>
    %add3A_192 = vector.broadcast %add3A_188 : vector<1x8xf32> to vector<128x8xf32>
    %add3A_193 = arith.addf %dot_general3A_191, %add3A_192 : vector<128x8xf32>
    %reduce_sum3A_194 = arith.constant dense<0.000000e+00> : vector<8xf32>
    %reduce_sum3A_195 = vector.multi_reduction <add>, %slice3A_189, %reduce_sum3A_194 [0] : vector<128x8xf32> to vector<8xf32>
    %broadcast_in_dim3A_196 = vector.shape_cast %reduce_sum3A_195 : vector<8xf32> to vector<1x8xf32>
    %add3A_197 = arith.addf %add3A_188, %broadcast_in_dim3A_196 : vector<1x8xf32>
    %slice3A_198 = vector.extract_strided_slice %add3A_92 {offsets = [1408, 0], sizes = [128, 8], strides = [1, 1]} : vector<2048x8xf32> to vector<128x8xf32>
    %dot_general3A_199 = arith.constant dense<0.000000e+00> : vector<128x8xf32>
    %dot_general3A_200 = tpu.matmul %convert_element_type3A_96, %slice3A_198, %dot_general3A_199 {dimension_numbers = #tpu.dot_dimension_numbers<[1], [0], [0], [1], [0, 0, 1, 1], [], []>, transpose_lhs_hint = false} : vector<128x128xf32>, vector<128x8xf32>, vector<128x8xf32> -> vector<128x8xf32>
    %add3A_201 = vector.broadcast %add3A_197 : vector<1x8xf32> to vector<128x8xf32>
    %add3A_202 = arith.addf %dot_general3A_200, %add3A_201 : vector<128x8xf32>
    %reduce_sum3A_203 = arith.constant dense<0.000000e+00> : vector<8xf32>
    %reduce_sum3A_204 = vector.multi_reduction <add>, %slice3A_198, %reduce_sum3A_203 [0] : vector<128x8xf32> to vector<8xf32>
    %broadcast_in_dim3A_205 = vector.shape_cast %reduce_sum3A_204 : vector<8xf32> to vector<1x8xf32>
    %add3A_206 = arith.addf %add3A_197, %broadcast_in_dim3A_205 : vector<1x8xf32>
    %slice3A_207 = vector.extract_strided_slice %add3A_92 {offsets = [1536, 0], sizes = [128, 8], strides = [1, 1]} : vector<2048x8xf32> to vector<128x8xf32>
    %dot_general3A_208 = arith.constant dense<0.000000e+00> : vector<128x8xf32>
    %dot_general3A_209 = tpu.matmul %convert_element_type3A_96, %slice3A_207, %dot_general3A_208 {dimension_numbers = #tpu.dot_dimension_numbers<[1], [0], [0], [1], [0, 0, 1, 1], [], []>, transpose_lhs_hint = false} : vector<128x128xf32>, vector<128x8xf32>, vector<128x8xf32> -> vector<128x8xf32>
    %add3A_210 = vector.broadcast %add3A_206 : vector<1x8xf32> to vector<128x8xf32>
    %add3A_211 = arith.addf %dot_general3A_209, %add3A_210 : vector<128x8xf32>
    %reduce_sum3A_212 = arith.constant dense<0.000000e+00> : vector<8xf32>
    %reduce_sum3A_213 = vector.multi_reduction <add>, %slice3A_207, %reduce_sum3A_212 [0] : vector<128x8xf32> to vector<8xf32>
    %broadcast_in_dim3A_214 = vector.shape_cast %reduce_sum3A_213 : vector<8xf32> to vector<1x8xf32>
    %add3A_215 = arith.addf %add3A_206, %broadcast_in_dim3A_214 : vector<1x8xf32>
    %slice3A_216 = vector.extract_strided_slice %add3A_92 {offsets = [1664, 0], sizes = [128, 8], strides = [1, 1]} : vector<2048x8xf32> to vector<128x8xf32>
    %dot_general3A_217 = arith.constant dense<0.000000e+00> : vector<128x8xf32>
    %dot_general3A_218 = tpu.matmul %convert_element_type3A_96, %slice3A_216, %dot_general3A_217 {dimension_numbers = #tpu.dot_dimension_numbers<[1], [0], [0], [1], [0, 0, 1, 1], [], []>, transpose_lhs_hint = false} : vector<128x128xf32>, vector<128x8xf32>, vector<128x8xf32> -> vector<128x8xf32>
    %add3A_219 = vector.broadcast %add3A_215 : vector<1x8xf32> to vector<128x8xf32>
    %add3A_220 = arith.addf %dot_general3A_218, %add3A_219 : vector<128x8xf32>
    %reduce_sum3A_221 = arith.constant dense<0.000000e+00> : vector<8xf32>
    %reduce_sum3A_222 = vector.multi_reduction <add>, %slice3A_216, %reduce_sum3A_221 [0] : vector<128x8xf32> to vector<8xf32>
    %broadcast_in_dim3A_223 = vector.shape_cast %reduce_sum3A_222 : vector<8xf32> to vector<1x8xf32>
    %add3A_224 = arith.addf %add3A_215, %broadcast_in_dim3A_223 : vector<1x8xf32>
    %slice3A_225 = vector.extract_strided_slice %add3A_92 {offsets = [1792, 0], sizes = [128, 8], strides = [1, 1]} : vector<2048x8xf32> to vector<128x8xf32>
    %dot_general3A_226 = arith.constant dense<0.000000e+00> : vector<128x8xf32>
    %dot_general3A_227 = tpu.matmul %convert_element_type3A_96, %slice3A_225, %dot_general3A_226 {dimension_numbers = #tpu.dot_dimension_numbers<[1], [0], [0], [1], [0, 0, 1, 1], [], []>, transpose_lhs_hint = false} : vector<128x128xf32>, vector<128x8xf32>, vector<128x8xf32> -> vector<128x8xf32>
    %add3A_228 = vector.broadcast %add3A_224 : vector<1x8xf32> to vector<128x8xf32>
    %add3A_229 = arith.addf %dot_general3A_227, %add3A_228 : vector<128x8xf32>
    %reduce_sum3A_230 = arith.constant dense<0.000000e+00> : vector<8xf32>
    %reduce_sum3A_231 = vector.multi_reduction <add>, %slice3A_225, %reduce_sum3A_230 [0] : vector<128x8xf32> to vector<8xf32>
    %broadcast_in_dim3A_232 = vector.shape_cast %reduce_sum3A_231 : vector<8xf32> to vector<1x8xf32>
    %add3A_233 = arith.addf %add3A_224, %broadcast_in_dim3A_232 : vector<1x8xf32>
    %slice3A_234 = vector.extract_strided_slice %add3A_92 {offsets = [1920, 0], sizes = [128, 8], strides = [1, 1]} : vector<2048x8xf32> to vector<128x8xf32>
    %dot_general3A_235 = arith.constant dense<0.000000e+00> : vector<128x8xf32>
    %dot_general3A_236 = tpu.matmul %convert_element_type3A_96, %slice3A_234, %dot_general3A_235 {dimension_numbers = #tpu.dot_dimension_numbers<[1], [0], [0], [1], [0, 0, 1, 1], [], []>, transpose_lhs_hint = false} : vector<128x128xf32>, vector<128x8xf32>, vector<128x8xf32> -> vector<128x8xf32>
    %add3A_237 = vector.broadcast %add3A_233 : vector<1x8xf32> to vector<128x8xf32>
    %add3A_238 = arith.addf %dot_general3A_236, %add3A_237 : vector<128x8xf32>
    %reduce_sum3A_239 = arith.constant dense<0.000000e+00> : vector<8xf32>
    %reduce_sum3A_240 = vector.multi_reduction <add>, %slice3A_234, %reduce_sum3A_239 [0] : vector<128x8xf32> to vector<8xf32>
    %broadcast_in_dim3A_241 = vector.shape_cast %reduce_sum3A_240 : vector<8xf32> to vector<1x8xf32>
    %add3A_242 = arith.addf %add3A_233, %broadcast_in_dim3A_241 : vector<1x8xf32>
    %concatenate3A_243 = tpu.concatenate %add3A_103, %add3A_112, %add3A_121, %add3A_130, %add3A_139, %add3A_148, %add3A_157, %add3A_166, %add3A_175, %add3A_184, %add3A_193, %add3A_202, %add3A_211, %add3A_220, %add3A_229, %add3A_238 in 0 : vector<128x8xf32>, vector<128x8xf32>, vector<128x8xf32>, vector<128x8xf32>, vector<128x8xf32>, vector<128x8xf32>, vector<128x8xf32>, vector<128x8xf32>, vector<128x8xf32>, vector<128x8xf32>, vector<128x8xf32>, vector<128x8xf32>, vector<128x8xf32>, vector<128x8xf32>, vector<128x8xf32>, vector<128x8xf32> -> vector<2048x8xf32>
    %mul3A_244 = arith.mulf %concatenate3A_243, %convert_element_type3A_87 : vector<2048x8xf32>
    %reduce_sum3A_245 = arith.constant dense<0.000000e+00> : vector<2048xf32>
    %reduce_sum3A_246 = vector.multi_reduction <add>, %mul3A_244, %reduce_sum3A_245 [1] : vector<2048x8xf32> to vector<2048xf32>
    %broadcast_in_dim3A_247 = vector.shape_cast %reduce_sum3A_246 : vector<2048xf32> to vector<2048x1xf32>
    %mul3A_248 = arith.mulf %concatenate3A_243, %convert_element_type3A_91 : vector<2048x8xf32>
    %reduce_sum3A_249 = arith.constant dense<0.000000e+00> : vector<2048xf32>
    %reduce_sum3A_250 = vector.multi_reduction <add>, %mul3A_248, %reduce_sum3A_249 [1] : vector<2048x8xf32> to vector<2048xf32>
    %broadcast_in_dim3A_251 = vector.shape_cast %reduce_sum3A_250 : vector<2048xf32> to vector<2048x1xf32>
    %add3A_252 = arith.constant 1.270000e+02 : f32
    %add3A_253 = vector.broadcast %add3A_252 : f32 to vector<1x8xf32>
    %add3A_254 = arith.addf %add3A_242, %add3A_253 : vector<1x8xf32>
    %mul3A_255 = arith.constant 7.812500e-03 : f32
    %mul3A_256 = vector.broadcast %mul3A_255 : f32 to vector<1x8xf32>
    %mul3A_257 = arith.mulf %add3A_254, %mul3A_256 : vector<1x8xf32>
    %floor3A = math.floor %mul3A_257 : vector<1x8xf32>
    %mul3A_258 = arith.constant 1.280000e+02 : f32
    %mul3A_259 = vector.broadcast %mul3A_258 : f32 to vector<1x8xf32>
    %mul3A_260 = arith.mulf %floor3A, %mul3A_259 : vector<1x8xf32>
    %iota3A_261 = tpu.iota {dimensions = array<i32: 0>} : vector<8x8xi32>
    %iota3A_262 = tpu.iota {dimensions = array<i32: 1>} : vector<8x8xi32>
    %le3A = arith.cmpi sle, %iota3A_261, %iota3A_262 : vector<8x8xi32>
    %convert_element_type3A_263 = arith.extui %le3A : vector<8x8xi1> to vector<8x8xi32>
    %convert_element_type3A_264 = arith.sitofp %convert_element_type3A_263 : vector<8x8xi32> to vector<8x8xf32>
    %dot_general3A_265 = arith.constant dense<0.000000e+00> : vector<1x8xf32>
    %dot_general3A_266 = tpu.matmul %mul3A_260, %convert_element_type3A_264, %dot_general3A_265 {dimension_numbers = #tpu.dot_dimension_numbers<[1], [0], [0], [1], [0, 0, 1, 1], [], []>, transpose_lhs_hint = false} : vector<1x8xf32>, vector<8x8xf32>, vector<1x8xf32> -> vector<1x8xf32>
    %sub3A_267 = arith.subf %dot_general3A_266, %mul3A_260 : vector<1x8xf32>
    %mul3A_268 = vector.broadcast %sub3A_267 : vector<1x8xf32> to vector<2048x8xf32>
    %mul3A_269 = arith.mulf %convert_element_type3A_87, %mul3A_268 : vector<2048x8xf32>
    %reduce_sum3A_270 = arith.constant dense<0.000000e+00> : vector<2048xf32>
    %reduce_sum3A_271 = vector.multi_reduction <add>, %mul3A_269, %reduce_sum3A_270 [1] : vector<2048x8xf32> to vector<2048xf32>
    %broadcast_in_dim3A_272 = vector.shape_cast %reduce_sum3A_271 : vector<2048xf32> to vector<2048x1xf32>
    %add3A_273 = arith.addf %broadcast_in_dim3A_272, %broadcast_in_dim3A_247 : vector<2048x1xf32>
    %mul3A_274 = vector.broadcast %sub3A_267 : vector<1x8xf32> to vector<2048x8xf32>
    %mul3A_275 = arith.mulf %convert_element_type3A_91, %mul3A_274 : vector<2048x8xf32>
    %reduce_sum3A_276 = arith.constant dense<0.000000e+00> : vector<2048xf32>
    %reduce_sum3A_277 = vector.multi_reduction <add>, %mul3A_275, %reduce_sum3A_276 [1] : vector<2048x8xf32> to vector<2048xf32>
    %broadcast_in_dim3A_278 = vector.shape_cast %reduce_sum3A_277 : vector<2048xf32> to vector<2048x1xf32>
    %add3A_279 = arith.addf %broadcast_in_dim3A_278, %broadcast_in_dim3A_251 : vector<2048x1xf32>
    %convert_element_type3A_280 = arith.fptosi %add3A_273 : vector<2048x1xf32> to vector<2048x1xi32>
    %swap3A_281 = arith.constant 0 : index
    %swap3A_282 = arith.constant 0 : index
    %swap3A_283 = vector.load %arg3[%swap3A_281, %swap3A_282] : memref<2048x1xi32, #tpu.memory_space<vmem>>, vector<2048x1xi32>
    tpu.vector_store %arg3[%swap3A_281, %swap3A_282], %convert_element_type3A_280 {strides = array<i32>} : memref<2048x1xi32, #tpu.memory_space<vmem>>, vector<2048x1xi32>,
    %convert_element_type3A_284 = arith.fptosi %add3A_279 : vector<2048x1xf32> to vector<2048x1xi32>
    %swap3A_285 = arith.constant 0 : index
    %swap3A_286 = arith.constant 0 : index
    %swap3A_287 = vector.load %arg4[%swap3A_285, %swap3A_286] : memref<2048x1xi32, #tpu.memory_space<vmem>>, vector<2048x1xi32>
    tpu.vector_store %arg4[%swap3A_285, %swap3A_286], %convert_element_type3A_284 {strides = array<i32>} : memref<2048x1xi32, #tpu.memory_space<vmem>>, vector<2048x1xi32>,
    %iota3A_288 = tpu.iota {dimensions = array<i32: 1>} : vector<1x40xi32>
    %mul3A_289 = arith.constant 128 : i32
    %mul3A_290 = vector.broadcast %mul3A_289 : i32 to vector<1x40xi32>
    %mul3A_291 = arith.muli %iota3A_288, %mul3A_290 : vector<1x40xi32>
    %convert_element_type3A_292 = arith.sitofp %mul3A_291 : vector<1x40xi32> to vector<1x40xf32>
    %broadcast_in_dim3A_293 = arith.constant 0 : i32
    %broadcast_in_dim3A_294 = vector.broadcast %broadcast_in_dim3A_293 : i32 to vector<1x40xi32>
    %slice3A_295 = vector.extract_strided_slice %dot_general3A_266 {offsets = [0, 0], sizes = [1, 1], strides = [1, 1]} : vector<1x8xf32> to vector<1x1xf32>
    %squeeze3A = vector.extract %slice3A_295[0, 0] : f32 from vector<1x1xf32>
    %ge3A = vector.broadcast %squeeze3A : f32 to vector<1x40xf32>
    %ge3A_296 = arith.cmpf oge, %convert_element_type3A_292, %ge3A : vector<1x40xf32>
    %convert_element_type3A_297 = arith.extui %ge3A_296 : vector<1x40xi1> to vector<1x40xi32>
    %add3A_298 = arith.addi %broadcast_in_dim3A_294, %convert_element_type3A_297 : vector<1x40xi32>
    %slice3A_299 = vector.extract_strided_slice %dot_general3A_266 {offsets = [0, 1], sizes = [1, 1], strides = [1, 1]} : vector<1x8xf32> to vector<1x1xf32>
    %squeeze3A_300 = vector.extract %slice3A_299[0, 0] : f32 from vector<1x1xf32>
    %ge3A_301 = vector.broadcast %squeeze3A_300 : f32 to vector<1x40xf32>
    %ge3A_302 = arith.cmpf oge, %convert_element_type3A_292, %ge3A_301 : vector<1x40xf32>
    %convert_element_type3A_303 = arith.extui %ge3A_302 : vector<1x40xi1> to vector<1x40xi32>
    %add3A_304 = arith.addi %add3A_298, %convert_element_type3A_303 : vector<1x40xi32>
    %slice3A_305 = vector.extract_strided_slice %dot_general3A_266 {offsets = [0, 2], sizes = [1, 1], strides = [1, 1]} : vector<1x8xf32> to vector<1x1xf32>
    %squeeze3A_306 = vector.extract %slice3A_305[0, 0] : f32 from vector<1x1xf32>
    %ge3A_307 = vector.broadcast %squeeze3A_306 : f32 to vector<1x40xf32>
    %ge3A_308 = arith.cmpf oge, %convert_element_type3A_292, %ge3A_307 : vector<1x40xf32>
    %convert_element_type3A_309 = arith.extui %ge3A_308 : vector<1x40xi1> to vector<1x40xi32>
    %add3A_310 = arith.addi %add3A_304, %convert_element_type3A_309 : vector<1x40xi32>
    %slice3A_311 = vector.extract_strided_slice %dot_general3A_266 {offsets = [0, 3], sizes = [1, 1], strides = [1, 1]} : vector<1x8xf32> to vector<1x1xf32>
    %squeeze3A_312 = vector.extract %slice3A_311[0, 0] : f32 from vector<1x1xf32>
    %ge3A_313 = vector.broadcast %squeeze3A_312 : f32 to vector<1x40xf32>
    %ge3A_314 = arith.cmpf oge, %convert_element_type3A_292, %ge3A_313 : vector<1x40xf32>
    %convert_element_type3A_315 = arith.extui %ge3A_314 : vector<1x40xi1> to vector<1x40xi32>
    %add3A_316 = arith.addi %add3A_310, %convert_element_type3A_315 : vector<1x40xi32>
    %slice3A_317 = vector.extract_strided_slice %dot_general3A_266 {offsets = [0, 4], sizes = [1, 1], strides = [1, 1]} : vector<1x8xf32> to vector<1x1xf32>
    %squeeze3A_318 = vector.extract %slice3A_317[0, 0] : f32 from vector<1x1xf32>
    %ge3A_319 = vector.broadcast %squeeze3A_318 : f32 to vector<1x40xf32>
    %ge3A_320 = arith.cmpf oge, %convert_element_type3A_292, %ge3A_319 : vector<1x40xf32>
    %convert_element_type3A_321 = arith.extui %ge3A_320 : vector<1x40xi1> to vector<1x40xi32>
    %add3A_322 = arith.addi %add3A_316, %convert_element_type3A_321 : vector<1x40xi32>
    %slice3A_323 = vector.extract_strided_slice %dot_general3A_266 {offsets = [0, 5], sizes = [1, 1], strides = [1, 1]} : vector<1x8xf32> to vector<1x1xf32>
    %squeeze3A_324 = vector.extract %slice3A_323[0, 0] : f32 from vector<1x1xf32>
    %ge3A_325 = vector.broadcast %squeeze3A_324 : f32 to vector<1x40xf32>
    %ge3A_326 = arith.cmpf oge, %convert_element_type3A_292, %ge3A_325 : vector<1x40xf32>
    %convert_element_type3A_327 = arith.extui %ge3A_326 : vector<1x40xi1> to vector<1x40xi32>
    %add3A_328 = arith.addi %add3A_322, %convert_element_type3A_327 : vector<1x40xi32>
    %slice3A_329 = vector.extract_strided_slice %dot_general3A_266 {offsets = [0, 6], sizes = [1, 1], strides = [1, 1]} : vector<1x8xf32> to vector<1x1xf32>
    %squeeze3A_330 = vector.extract %slice3A_329[0, 0] : f32 from vector<1x1xf32>
    %ge3A_331 = vector.broadcast %squeeze3A_330 : f32 to vector<1x40xf32>
    %ge3A_332 = arith.cmpf oge, %convert_element_type3A_292, %ge3A_331 : vector<1x40xf32>
    %convert_element_type3A_333 = arith.extui %ge3A_332 : vector<1x40xi1> to vector<1x40xi32>
    %add3A_334 = arith.addi %add3A_328, %convert_element_type3A_333 : vector<1x40xi32>
    %slice3A_335 = vector.extract_strided_slice %dot_general3A_266 {offsets = [0, 7], sizes = [1, 1], strides = [1, 1]} : vector<1x8xf32> to vector<1x1xf32>
    %squeeze3A_336 = vector.extract %slice3A_335[0, 0] : f32 from vector<1x1xf32>
    %ge3A_337 = vector.broadcast %squeeze3A_336 : f32 to vector<1x40xf32>
    %ge3A_338 = arith.cmpf oge, %convert_element_type3A_292, %ge3A_337 : vector<1x40xf32>
    %convert_element_type3A_339 = arith.extui %ge3A_338 : vector<1x40xi1> to vector<1x40xi32>
    %add3A_340 = arith.addi %add3A_334, %convert_element_type3A_339 : vector<1x40xi32>
    %min3A = arith.constant 7 : i32
    %min3A_341 = vector.broadcast %min3A : i32 to vector<1x40xi32>
    %min3A_342 = arith.minsi %add3A_340, %min3A_341 : vector<1x40xi32>
    %swap3A_343 = arith.constant 0 : index
    %swap3A_344 = arith.constant 0 : index
    %swap3A_345 = vector.load %arg7[%swap3A_343, %swap3A_344] : memref<1x40xi32, #tpu.memory_space<vmem>>, vector<1x40xi32>
    tpu.vector_store %arg7[%swap3A_343, %swap3A_344], %min3A_342 {strides = array<i32>} : memref<1x40xi32, #tpu.memory_space<vmem>>, vector<1x40xi32>,
    %slice3A_346 = vector.extract_strided_slice %dot_general3A_266 {offsets = [0, 7], sizes = [1, 1], strides = [1, 1]} : vector<1x8xf32> to vector<1x1xf32>
    %squeeze3A_347 = vector.extract %slice3A_346[0, 0] : f32 from vector<1x1xf32>
    %lt3A = vector.broadcast %squeeze3A_347 : f32 to vector<1x40xf32>
    %lt3A_348 = arith.cmpf olt, %convert_element_type3A_292, %lt3A : vector<1x40xf32>
    %convert_element_type3A_349 = arith.extui %lt3A_348 : vector<1x40xi1> to vector<1x40xi32>
    %swap3A_350 = arith.constant 0 : index
    %swap3A_351 = arith.constant 0 : index
    %swap3A_352 = vector.load %arg8[%swap3A_350, %swap3A_351] : memref<1x40xi32, #tpu.memory_space<vmem>>, vector<1x40xi32>
    tpu.vector_store %arg8[%swap3A_350, %swap3A_351], %convert_element_type3A_349 {strides = array<i32>} : memref<1x40xi32, #tpu.memory_space<vmem>>, vector<1x40xi32>,
    return
  }
}

module attributes {stable_mosaic.version = 14 : i64} {
  func.func @_w2r_body(%arg0: i32, %arg1: memref<1x1536x768xf32, #tpu.memory_space<vmem>>, %arg2: memref<1x1x768xf32, #tpu.memory_space<vmem>>, %arg3: memref<1x768xf32, #tpu.memory_space<vmem>>, %arg4: memref<1x1xf32, #tpu.memory_space<vmem>>, %arg5: memref<1x1x1536xf32, #tpu.memory_space<vmem>>, %arg6: memref<1x1x1xf32, #tpu.memory_space<vmem>>) attributes {dimension_semantics = [#tpu.dimension_semantics<arbitrary>], iteration_bounds = array<i64: 8>, scalar_prefetch = 0 : i64, scratch_operands = 0 : i64, tpu.core_type = #tpu.core_type<tc>, window_params = [{transform_indices = @transform_0, window_bounds = array<i64: 1, 1536, 768>}, {transform_indices = @transform_1, window_bounds = array<i64: 1, 1, 768>}, {pipeline_mode = #tpu.pipeline_mode<synchronous>, transform_indices = @transform_2, window_bounds = array<i64: 1, 768>}, {pipeline_mode = #tpu.pipeline_mode<synchronous>, transform_indices = @transform_3, window_bounds = array<i64: 1, 1>}, {transform_indices = @transform_4, window_bounds = array<i64: 1, 1, 1536>}, {transform_indices = @transform_5, window_bounds = array<i64: 1, 1, 1>}]} {
    %get3A = arith.constant 0 : index
    %get3A_0 = arith.constant 0 : index
    %get3A_1 = vector.load %arg3[%get3A, %get3A_0] : memref<1x768xf32, #tpu.memory_space<vmem>>, vector<1x768xf32>
    %get3A_2 = arith.constant 0 : index
    %get3A_3 = arith.constant 0 : index
    %get3A_4 = arith.constant 0 : index
    %get3A_5 = vector.load %arg1[%get3A_2, %get3A_3, %get3A_4] : memref<1x1536x768xf32, #tpu.memory_space<vmem>>, vector<1x1536x768xf32>
    %get3A_6 = vector.shape_cast %get3A_5 : vector<1x1536x768xf32> to vector<1536x768xf32>
    %dot_general3A = arith.constant dense<0.000000e+00> : vector<1x1536xf32>
    %dot_general3A_7 = tpu.matmul %get3A_1, %get3A_6, %dot_general3A {dimension_numbers = #tpu.dot_dimension_numbers<[1], [1], [0], [0], [0, 0, 1, 0], [], []>, transpose_lhs_hint = false} : vector<1x768xf32>, vector<1536x768xf32>, vector<1x1536xf32> -> vector<1x1536xf32>
    %swap3A = arith.constant 0 : index
    %swap3A_8 = arith.constant 0 : index
    %swap3A_9 = arith.constant 0 : index
    %swap3A_10 = vector.load %arg5[%swap3A, %swap3A_8, %swap3A_9] : memref<1x1x1536xf32, #tpu.memory_space<vmem>>, vector<1x1x1536xf32>
    %swap3A_11 = vector.shape_cast %swap3A_10 : vector<1x1x1536xf32> to vector<1x1536xf32>
    %swap3A_12 = vector.shape_cast %dot_general3A_7 : vector<1x1536xf32> to vector<1x1x1536xf32>
    tpu.vector_store %arg5[%swap3A, %swap3A_8, %swap3A_9], %swap3A_12 {strides = array<i32>} : memref<1x1x1536xf32, #tpu.memory_space<vmem>>, vector<1x1x1536xf32>,
    %get3A_13 = arith.constant 0 : index
    %get3A_14 = arith.constant 0 : index
    %get3A_15 = arith.constant 0 : index
    %get3A_16 = vector.load %arg2[%get3A_13, %get3A_14, %get3A_15] : memref<1x1x768xf32, #tpu.memory_space<vmem>>, vector<1x1x768xf32>
    %get3A_17 = vector.shape_cast %get3A_16 : vector<1x1x768xf32> to vector<1x768xf32>
    %get3A_18 = arith.constant 0 : index
    %get3A_19 = arith.constant 0 : index
    %get3A_20 = vector.load %arg3[%get3A_18, %get3A_19] : memref<1x768xf32, #tpu.memory_space<vmem>>, vector<1x768xf32>
    %mul3A = arith.mulf %get3A_17, %get3A_20 : vector<1x768xf32>
    %reduce_sum3A = vector.shape_cast %mul3A : vector<1x768xf32> to vector<1x1x768xf32>
    %reduce_sum3A_21 = arith.constant dense<0.000000e+00> : vector<1xf32>
    %reduce_sum3A_22 = vector.multi_reduction <add>, %reduce_sum3A, %reduce_sum3A_21 [1, 2] : vector<1x1x768xf32> to vector<1xf32>
    %reduce_sum3A_23 = vector.shape_cast %reduce_sum3A_22 : vector<1xf32> to vector<1x1x1xf32>
    %reduce_sum3A_24 = vector.extract %reduce_sum3A_23[0, 0, 0] : f32 from vector<1x1x1xf32>
    %get3A_25 = arith.constant 0 : index
    %get3A_26 = arith.constant 0 : index
    %get3A_27 = vector.load %arg4[%get3A_25, %get3A_26] : memref<1x1xf32, #tpu.memory_space<vmem>>, vector<1x1xf32>
    %reduce_sum3A_28 = vector.shape_cast %get3A_27 : vector<1x1xf32> to vector<1x1x1xf32>
    %reduce_sum3A_29 = arith.constant dense<0.000000e+00> : vector<1xf32>
    %reduce_sum3A_30 = vector.multi_reduction <add>, %reduce_sum3A_28, %reduce_sum3A_29 [1, 2] : vector<1x1x1xf32> to vector<1xf32>
    %reduce_sum3A_31 = vector.shape_cast %reduce_sum3A_30 : vector<1xf32> to vector<1x1x1xf32>
    %reduce_sum3A_32 = vector.extract %reduce_sum3A_31[0, 0, 0] : f32 from vector<1x1x1xf32>
    %add3A = arith.addf %reduce_sum3A_24, %reduce_sum3A_32 : f32
    %reshape3A = vector.broadcast %add3A : f32 to vector<1x1x1xf32>
    %swap3A_33 = arith.constant 0 : index
    %swap3A_34 = arith.constant 0 : index
    %swap3A_35 = arith.constant 0 : index
    %swap3A_36 = vector.load %arg6[%swap3A_33, %swap3A_34, %swap3A_35] : memref<1x1x1xf32, #tpu.memory_space<vmem>>, vector<1x1x1xf32>
    tpu.vector_store %arg6[%swap3A_33, %swap3A_34, %swap3A_35], %reshape3A {strides = array<i32>} : memref<1x1x1xf32, #tpu.memory_space<vmem>>, vector<1x1x1xf32>,
    return
  }
  func.func @transform_0(%arg0: i32) -> (i32, i32, i32) {
    %c0_i32 = arith.constant 0 : i32
    %c0_i32_0 = arith.constant 0 : i32
    %c0_i32_1 = arith.constant 0 : i32
    return %arg0, %c0_i32, %c0_i32_0 : i32, i32, i32
  }
  func.func @transform_1(%arg0: i32) -> (i32, i32, i32) {
    %c0_i32 = arith.constant 0 : i32
    %c0_i32_0 = arith.constant 0 : i32
    %c0_i32_1 = arith.constant 0 : i32
    return %arg0, %c0_i32, %c0_i32_0 : i32, i32, i32
  }
  func.func @transform_2(%arg0: i32) -> (i32, i32) {
    %c0_i32 = arith.constant 0 : i32
    %c0_i32_0 = arith.constant 0 : i32
    %c0_i32_1 = arith.constant 0 : i32
    return %c0_i32, %c0_i32_0 : i32, i32
  }
  func.func @transform_3(%arg0: i32) -> (i32, i32) {
    %c0_i32 = arith.constant 0 : i32
    %c0_i32_0 = arith.constant 0 : i32
    %c0_i32_1 = arith.constant 0 : i32
    return %c0_i32, %c0_i32_0 : i32, i32
  }
  func.func @transform_4(%arg0: i32) -> (i32, i32, i32) {
    %c0_i32 = arith.constant 0 : i32
    %c0_i32_0 = arith.constant 0 : i32
    %c0_i32_1 = arith.constant 0 : i32
    return %arg0, %c0_i32, %c0_i32_0 : i32, i32, i32
  }
  func.func @transform_5(%arg0: i32) -> (i32, i32, i32) {
    %c0_i32 = arith.constant 0 : i32
    %c0_i32_0 = arith.constant 0 : i32
    %c0_i32_1 = arith.constant 0 : i32
    return %arg0, %c0_i32, %c0_i32_0 : i32, i32, i32
  }
}

module attributes {stable_mosaic.version = 14 : i64} {
  func.func @_ffn_body(%arg0: i32, %arg1: memref<1x40xi32, #tpu.memory_space<smem>>, %arg2: memref<1x40xi32, #tpu.memory_space<smem>>, %arg3: memref<128x768xf32, #tpu.memory_space<vmem>>, %arg4: memref<1x768x1536xf32, #tpu.memory_space<vmem>>, %arg5: memref<1x1x1536xf32, #tpu.memory_space<vmem>>, %arg6: memref<1x1x1536xf32, #tpu.memory_space<vmem>>, %arg7: memref<1x1x1xf32, #tpu.memory_space<vmem>>, %arg8: memref<128x1xf32, #tpu.memory_space<vmem>>) attributes {dimension_semantics = [#tpu.dimension_semantics<arbitrary>], iteration_bounds = array<i64: 40>, scalar_prefetch = 2 : i64, scratch_operands = 0 : i64, tpu.core_type = #tpu.core_type<tc>, window_params = [{transform_indices = @transform_0, window_bounds = array<i64: 128, 768>}, {transform_indices = @transform_1, window_bounds = array<i64: 1, 768, 1536>}, {transform_indices = @transform_2, window_bounds = array<i64: 1, 1, 1536>}, {transform_indices = @transform_3, window_bounds = array<i64: 1, 1, 1536>}, {transform_indices = @transform_4, window_bounds = array<i64: 1, 1, 1>}, {transform_indices = @transform_5, window_bounds = array<i64: 128, 1>}]} {
    %get3A = arith.constant 0 : index
    %get3A_0 = arith.index_cast %arg0 : i32 to index
    %get3A_1 = memref.load %arg2[%get3A, %get3A_0] : memref<1x40xi32, #tpu.memory_space<smem>>
    %gt3A = arith.constant 0 : i32
    %gt3A_2 = arith.cmpi sgt, %get3A_1, %gt3A : i32
    %convert_element_type3A = arith.extui %gt3A_2 : i1 to i32
    %cond3A = arith.constant 0 : i32
    %cond3A_3 = arith.cmpi ne, %convert_element_type3A, %cond3A : i32
    scf.if %cond3A_3 {
      %get3A_4 = arith.constant 0 : index
      %get3A_5 = arith.constant 0 : index
      %get3A_6 = vector.load %arg3[%get3A_4, %get3A_5] : memref<128x768xf32, #tpu.memory_space<vmem>>, vector<128x768xf32>
      %get3A_7 = arith.constant 0 : index
      %get3A_8 = arith.constant 0 : index
      %get3A_9 = arith.constant 0 : index
      %get3A_10 = vector.load %arg4[%get3A_7, %get3A_8, %get3A_9] : memref<1x768x1536xf32, #tpu.memory_space<vmem>>, vector<1x768x1536xf32>
      %get3A_11 = vector.shape_cast %get3A_10 : vector<1x768x1536xf32> to vector<768x1536xf32>
      %dot_general3A = arith.constant dense<0.000000e+00> : vector<128x1536xf32>
      %dot_general3A_12 = tpu.matmul %get3A_6, %get3A_11, %dot_general3A {dimension_numbers = #tpu.dot_dimension_numbers<[1], [0], [0], [1], [0, 0, 1, 1], [], []>, transpose_lhs_hint = false} : vector<128x768xf32>, vector<768x1536xf32>, vector<128x1536xf32> -> vector<128x1536xf32>
      %get3A_13 = arith.constant 0 : index
      %get3A_14 = arith.constant 0 : index
      %get3A_15 = arith.constant 0 : index
      %get3A_16 = vector.load %arg5[%get3A_13, %get3A_14, %get3A_15] : memref<1x1x1536xf32, #tpu.memory_space<vmem>>, vector<1x1x1536xf32>
      %get3A_17 = vector.shape_cast %get3A_16 : vector<1x1x1536xf32> to vector<1x1536xf32>
      %add3A = vector.broadcast %get3A_17 : vector<1x1536xf32> to vector<128x1536xf32>
      %add3A_18 = arith.addf %dot_general3A_12, %add3A : vector<128x1536xf32>
      %integer_pow3A = arith.mulf %add3A_18, %add3A_18 : vector<128x1536xf32>
      %integer_pow3A_19 = arith.mulf %add3A_18, %integer_pow3A : vector<128x1536xf32>
      %mul3A = arith.constant 4.471500e-02 : f32
      %mul3A_20 = vector.broadcast %mul3A : f32 to vector<128x1536xf32>
      %mul3A_21 = arith.mulf %mul3A_20, %integer_pow3A_19 : vector<128x1536xf32>
      %add3A_22 = arith.addf %add3A_18, %mul3A_21 : vector<128x1536xf32>
      %mul3A_23 = arith.constant 0.797884583 : f32
      %mul3A_24 = vector.broadcast %mul3A_23 : f32 to vector<128x1536xf32>
      %mul3A_25 = arith.mulf %mul3A_24, %add3A_22 : vector<128x1536xf32>
      %tanh3A = math.tanh %mul3A_25 : vector<128x1536xf32>
      %add3A_26 = arith.constant 1.000000e+00 : f32
      %add3A_27 = vector.broadcast %add3A_26 : f32 to vector<128x1536xf32>
      %add3A_28 = arith.addf %add3A_27, %tanh3A : vector<128x1536xf32>
      %mul3A_29 = arith.constant 5.000000e-01 : f32
      %mul3A_30 = vector.broadcast %mul3A_29 : f32 to vector<128x1536xf32>
      %mul3A_31 = arith.mulf %mul3A_30, %add3A_28 : vector<128x1536xf32>
      %mul3A_32 = arith.mulf %add3A_18, %mul3A_31 : vector<128x1536xf32>
      %get3A_33 = arith.constant 0 : index
      %get3A_34 = arith.constant 0 : index
      %get3A_35 = arith.constant 0 : index
      %get3A_36 = vector.load %arg6[%get3A_33, %get3A_34, %get3A_35] : memref<1x1x1536xf32, #tpu.memory_space<vmem>>, vector<1x1x1536xf32>
      %get3A_37 = vector.shape_cast %get3A_36 : vector<1x1x1536xf32> to vector<1x1536xf32>
      %mul3A_38 = vector.broadcast %get3A_37 : vector<1x1536xf32> to vector<128x1536xf32>
      %mul3A_39 = arith.mulf %mul3A_32, %mul3A_38 : vector<128x1536xf32>
      %reduce_sum3A = arith.constant dense<0.000000e+00> : vector<128xf32>
      %reduce_sum3A_40 = vector.multi_reduction <add>, %mul3A_39, %reduce_sum3A [1] : vector<128x1536xf32> to vector<128xf32>
      %get3A_41 = arith.constant 0 : index
      %get3A_42 = arith.constant 0 : index
      %get3A_43 = arith.constant 0 : index
      %get3A_44 = vector.load %arg7[%get3A_41, %get3A_42, %get3A_43] : memref<1x1x1xf32, #tpu.memory_space<vmem>>, vector<1x1x1xf32>
      %reduce_sum3A_45 = vector.shape_cast %get3A_44 : vector<1x1x1xf32> to vector<1x1x1x1xf32>
      %reduce_sum3A_46 = arith.constant dense<0.000000e+00> : vector<1xf32>
      %reduce_sum3A_47 = vector.multi_reduction <add>, %reduce_sum3A_45, %reduce_sum3A_46 [1, 2, 3] : vector<1x1x1x1xf32> to vector<1xf32>
      %reduce_sum3A_48 = vector.shape_cast %reduce_sum3A_47 : vector<1xf32> to vector<1x1x1x1xf32>
      %reduce_sum3A_49 = vector.extract %reduce_sum3A_48[0, 0, 0, 0] : f32 from vector<1x1x1x1xf32>
      %add3A_50 = vector.broadcast %reduce_sum3A_49 : f32 to vector<128xf32>
      %add3A_51 = arith.addf %reduce_sum3A_40, %add3A_50 : vector<128xf32>
      %broadcast_in_dim3A = vector.shape_cast %add3A_51 : vector<128xf32> to vector<128x1xf32>
      %swap3A = arith.constant 0 : index
      %swap3A_52 = arith.constant 0 : index
      %swap3A_53 = vector.load %arg8[%swap3A, %swap3A_52] : memref<128x1xf32, #tpu.memory_space<vmem>>, vector<128x1xf32>
      tpu.vector_store %arg8[%swap3A, %swap3A_52], %broadcast_in_dim3A {strides = array<i32>} : memref<128x1xf32, #tpu.memory_space<vmem>>, vector<128x1xf32>,
    } else {
    }
    return
  }
  func.func @transform_0(%arg0: i32, %arg1: memref<1x40xi32, #tpu.memory_space<smem>>, %arg2: memref<1x40xi32, #tpu.memory_space<smem>>) -> (i32, i32) {
    %c0_i32 = arith.constant 0 : i32
    %c0_i32_0 = arith.constant 0 : i32
    return %arg0, %c0_i32 : i32, i32
  }
  func.func @transform_1(%arg0: i32, %arg1: memref<1x40xi32, #tpu.memory_space<smem>>, %arg2: memref<1x40xi32, #tpu.memory_space<smem>>) -> (i32, i32, i32) {
    %get3A = arith.constant 0 : index
    %get3A_0 = arith.index_cast %arg0 : i32 to index
    %get3A_1 = memref.load %arg1[%get3A, %get3A_0] : memref<1x40xi32, #tpu.memory_space<smem>>
    %c0_i32 = arith.constant 0 : i32
    %c0_i32_2 = arith.constant 0 : i32
    %c0_i32_3 = arith.constant 0 : i32
    return %get3A_1, %c0_i32, %c0_i32_2 : i32, i32, i32
  }
  func.func @transform_2(%arg0: i32, %arg1: memref<1x40xi32, #tpu.memory_space<smem>>, %arg2: memref<1x40xi32, #tpu.memory_space<smem>>) -> (i32, i32, i32) {
    %get3A = arith.constant 0 : index
    %get3A_0 = arith.index_cast %arg0 : i32 to index
    %get3A_1 = memref.load %arg1[%get3A, %get3A_0] : memref<1x40xi32, #tpu.memory_space<smem>>
    %c0_i32 = arith.constant 0 : i32
    %c0_i32_2 = arith.constant 0 : i32
    %c0_i32_3 = arith.constant 0 : i32
    return %get3A_1, %c0_i32, %c0_i32_2 : i32, i32, i32
  }
  func.func @transform_3(%arg0: i32, %arg1: memref<1x40xi32, #tpu.memory_space<smem>>, %arg2: memref<1x40xi32, #tpu.memory_space<smem>>) -> (i32, i32, i32) {
    %get3A = arith.constant 0 : index
    %get3A_0 = arith.index_cast %arg0 : i32 to index
    %get3A_1 = memref.load %arg1[%get3A, %get3A_0] : memref<1x40xi32, #tpu.memory_space<smem>>
    %c0_i32 = arith.constant 0 : i32
    %c0_i32_2 = arith.constant 0 : i32
    %c0_i32_3 = arith.constant 0 : i32
    return %get3A_1, %c0_i32, %c0_i32_2 : i32, i32, i32
  }
  func.func @transform_4(%arg0: i32, %arg1: memref<1x40xi32, #tpu.memory_space<smem>>, %arg2: memref<1x40xi32, #tpu.memory_space<smem>>) -> (i32, i32, i32) {
    %get3A = arith.constant 0 : index
    %get3A_0 = arith.index_cast %arg0 : i32 to index
    %get3A_1 = memref.load %arg1[%get3A, %get3A_0] : memref<1x40xi32, #tpu.memory_space<smem>>
    %c0_i32 = arith.constant 0 : i32
    %c0_i32_2 = arith.constant 0 : i32
    %c0_i32_3 = arith.constant 0 : i32
    return %get3A_1, %c0_i32, %c0_i32_2 : i32, i32, i32
  }
  func.func @transform_5(%arg0: i32, %arg1: memref<1x40xi32, #tpu.memory_space<smem>>, %arg2: memref<1x40xi32, #tpu.memory_space<smem>>) -> (i32, i32) {
    %c0_i32 = arith.constant 0 : i32
    %c0_i32_0 = arith.constant 0 : i32
    return %arg0, %c0_i32 : i32, i32
  }
}

</mosaic_0001>

<sc_bundles>
// kernel: kernel.10.cloned.1.call-start
scs
__scs_entry_jumppad:
0x0: {  	(pc) =	sbr.rel $0x88, $3  }
0x1: {  	(tag) =	ssettag $0x0;
	lr =	simm.s32 $0x1  }
0x2: {  	[smem:$0x3F98] =	sst lr;
	_ =	strace $0xD0000000  }
0x3: {  	_ = 	snop  }
0x4: {  	_ = 	snop  }
0x5: {  	_ = 	snop  }
0x6: {  	_ = 	snop  }
0x7: {  	_ = 	snop  }
__scs_overlays_trampoline_lowered:
0x8: {  	[smem:$0x3FA7] =	sst s0  }
0x9: {  	[smem:$0x3FA8] =	sst s1  }
0xa: {  	[smem:$0x3FA9] =	sst s2  }
0xb: {  	[smem:$0x3FAA] =	sst s3  }
0xc: {  	[smem:$0x3FAB] =	sst s4  }
0xd: {  	[smem:$0x3FAC] =	sst s5  }
0xe: {  	[smem:$0x3FAD] =	sst s6  }
0xf: {  	[smem:$0x3FAE] =	sst s7  }
0x10: {  	[smem:$0x3FAF] =	sst s8  }
0x11: {  	[smem:$0x3FB0] =	sst s9;
	s0 =	simm.s32 @!p0 $0x0  }
0x12: {  	s1 =	sld [smem:$0x3F96];
	s0 =	simm.s32 @p0 $0x1  }
0x13: {  	[smem:$0x3FB1] =	sst s0;
	s0 =	simm.s32 @!p1 $0x0  }
0x14: {  	s2 =	sld [smem:$0x3F95];
	s0 =	simm.s32 @p1 $0x1  }
0x15: {  	[smem:$0x3FB2] =	sst s0;
	s0 =	simm.s32 @!p2 $0x0  }
0x16: {  	s3 =	sld [smem:$0x3FDB];
	s0 =	simm.s32 @p2 $0x1  }
0x17: {  	s4 =	simm.s32 $0x1BF5;
	[smem:$0x3FB4] =	sst s0  }
0x18: {  	s0 =	sld [smem:$0x3F97];
	_ =	swait.ge [sflag:s4], $0x0  }
0x19: {  	s7 =	sld [smem:$0x3F98]  }
0x1a: {  	s8 =	sadd.s32 $0xFFFFE003, lr  }
0x1b: {  	s9 =	sadd.s32 $0xFFFFFEF7, lr;
	s5 =	simm.s32 $0xFFFFFFFF;
	p2 =	slt.u32 s8, $0xFFFFF086  }
0x1c: {  	p1 =	slt.u32 s9, $0xF7A;
	s5 =	simm.s32 @!p2 $0x0  }
0x1d: {  	s5 =	simm.s32 @p1 $0x1;
	p0 =	seq.s32 s7, s2  }
0x1e: {  	s7 =	smul.u32 @!p0 $0xF7A, s2;
	p2 =	seq.s32 @!p0 s5, $0x0  }
0x1f: {  	s9 =	smul.u32 $0xF7A, s1;
	s8 =	simm.s32 @!p0 $0x1BF5;
	p2 =	por !p2, p0  }
0x20: {  	[sflag:s8] =	ssyncset.s32 @!p0 $0xFFFFF086;
	s6 =	sadd.s32 @!p0 s3, s7;
	s7 =	simm.s32 @!p0 $0x108  }
0x21: {  	s3 =	sadd.s32 s3, s9;
	s6 =	sadd.s32 @!p0 $0x88, s6;
	s7 =	simm.s32 @p2 $0x1082  }
0x22: {  	[simem:s7], [sflag:s8] =	dma.local @!p0 [hbm:s6], $0xF7A  }
0x23: {  	s9 =	sor.u32 $0xD0000000, s2;
	s6 =	simm.s32 $0x108;
	_ =	swait.ge @!p0 [sflag:s8], $0x0  }
0x24: {  	s3 =	sadd.s32 $0x88, s3;
	s6 =	simm.s32 @!p1 $0x1082;
	[sflag:s4] =	ssyncset.s32 $0xFFFFF086  }
0x25: {  	[simem:s6], [sflag:s4] =	dma.local [hbm:s3], $0xF7A  }
0x26: {  	[smem:$0x3F98] =	sst s1;
	(tag) =	ssettag s2;
	_ =	strace s9  }
0x27: {  	s1 =	sld [smem:$0x3FA8]  }
0x28: {  	s2 =	sld [smem:$0x3FA9]  }
0x29: {  	s4 =	sld [smem:$0x3FAB]  }
0x2a: {  	p0 =	seq.s32 s5, $0x0;
	s5 =	sld [smem:$0x3FAC]  }
0x2b: {  	s6 =	sld [smem:$0x3FAD]  }
0x2c: {  	s7 =	sld [smem:$0x3FAE]  }
0x2d: {  	s3 =	simm.s32 $0x108;
	s8 =	sld [smem:$0x3FAF]  }
0x2e: {  	s3 =	simm.s32 @!p0 $0x1082;
	s9 =	sld [smem:$0x3FB0]  }
0x2f: {  	lr =	sadd.s32 s0, s3;
	s0 =	sld [smem:$0x3FA7]  }
0x30: {  	s3 =	sld [smem:$0x3FAA]  }
0x31: {  	[smem:$0x3FB3] =	sst s10  }
0x32: {  	s10 =	sld [smem:$0x3FB1];
	_ =	sdelay $0x3  }
0x33: {  	p0 =	seq.s32 s10, $0x1;
	s10 =	sld [smem:$0x3FB3];
	_ =	sdelay $0x3  }
0x34: {  	[smem:$0x3FB3] =	sst s10  }
0x35: {  	s10 =	sld [smem:$0x3FB2];
	_ =	sdelay $0x3  }
0x36: {  	p1 =	seq.s32 s10, $0x1;
	s10 =	sld [smem:$0x3FB3];
	_ =	sdelay $0x3  }
0x37: {  	[smem:$0x3FB3] =	sst s10  }
0x38: {  	s10 =	sld [smem:$0x3FB4]  }
0x39: {  	_ = 	snop;
	(pc) =	sbr.ind lr, $3  }
0x3a: {  	_ = 	snop  }
0x3b: {  	_ = 	snop  }
0x3c: {  	p2 =	seq.s32 s10, $0x1;
	s10 =	sld [smem:$0x3FB3]  }
0x3d: {  	_ =	shalt  }
0x3e: {  	_ =	shalt  }
0x3f: {  	_ =	shalt  }
0x40: {  	_ =	shalt  }
0x41: {  	_ =	shalt  }
0x42: {  	_ =	shalt  }
0x43: {  	_ =	shalt  }
0x44: {  	_ =	shalt  }
0x45: {  	_ =	shalt  }
0x46: {  	_ =	shalt  }
0x47: {  	_ =	shalt  }
0x48: {  	_ =	shalt  }
0x49: {  	_ =	shalt  }
0x4a: {  	_ =	shalt  }
0x4b: {  	_ =	shalt  }
0x4c: {  	_ =	shalt  }
0x4d: {  	_ =	shalt  }
0x4e: {  	_ =	shalt  }
0x4f: {  	_ =	shalt  }
0x50: {  	_ =	shalt  }
0x51: {  	_ =	shalt  }
0x52: {  	_ =	shalt  }
0x53: {  	_ =	shalt  }
0x54: {  	_ =	shalt  }
0x55: {  	_ =	shalt  }
0x56: {  	_ =	shalt  }
0x57: {  	_ =	shalt  }
0x58: {  	_ =	shalt  }
0x59: {  	_ =	shalt  }
0x5a: {  	_ =	shalt  }
0x5b: {  	_ =	shalt  }
0x5c: {  	_ =	shalt  }
0x5d: {  	_ =	shalt  }
0x5e: {  	_ =	shalt  }
0x5f: {  	_ =	shalt  }
0x60: {  	_ =	shalt  }
0x61: {  	_ =	shalt  }
0x62: {  	_ =	shalt  }
0x63: {  	_ =	shalt  }
0x64: {  	_ =	shalt  }
0x65: {  	_ =	shalt  }
0x66: {  	_ =	shalt  }
0x67: {  	_ =	shalt  }
0x68: {  	_ =	shalt  }
0x69: {  	_ =	shalt  }
0x6a: {  	_ =	shalt  }
0x6b: {  	_ =	shalt  }
0x6c: {  	_ =	shalt  }
0x6d: {  	_ =	shalt  }
0x6e: {  	_ =	shalt  }
0x6f: {  	_ =	shalt  }
0x70: {  	_ =	shalt  }
0x71: {  	_ =	shalt  }
0x72: {  	_ =	shalt  }
0x73: {  	_ =	shalt  }
0x74: {  	_ =	shalt  }
0x75: {  	_ =	shalt  }
0x76: {  	_ =	shalt  }
0x77: {  	_ =	shalt  }
0x78: {  	_ =	shalt  }
0x79: {  	_ =	shalt  }
0x7a: {  	_ =	shalt  }
0x7b: {  	_ =	shalt  }
0x7c: {  	_ =	shalt  }
0x7d: {  	_ =	shalt  }
0x7e: {  	_ =	shalt  }
0x7f: {  	_ =	shalt  }
0x80: {  	_ =	shalt  }
0x81: {  	_ =	shalt  }
0x82: {  	_ =	shalt  }
0x83: {  	_ =	shalt  }
0x84: {  	_ =	shalt  }
0x85: {  	_ =	shalt  }
0x86: {  	_ =	shalt  }
0x87: {  	_ =	shalt  }
.Lfunc_end0:
.L_simem_size_0:
called_computation.1_lowered:
.L_overlay_start_0:
0x88: {  	s2 =	sld [smem:$0x3FD9]  }
0x89: {  	s3 =	sld [smem:$0x3FFE];
	_ =	sdelay $0x1  }
0x8a: {  	s1 =	srdreg.scid  }
0x8b: {  	s0 =	sand.u32 $0x1, s1  }
0x8c: {  	s17 =	sshll.u32 s0, $0xA;
	s2 =	sadd.s32 s3, s2  }
0x8d: {  	s2 =	sadd.s32 s2, s17  }
0x8e: {  	[smem:$0x3FBF] =	sst s2  }
0x8f: {  	_ = 	snop  }
0x90: {  	s2 =	sld [smem:$0x3FD0];
	(tm) =	ssettm $0x1  }
0x91: {  	s18 =	sld [smem:$0x3FFB];
	_ =	sdelay $0x3  }
0x92: {  	_ =	strace s18  }
0x93: {  	s3 =	sld [smem:$0x3FFC];
	_ =	sdelay $0x3  }
0x94: {  	_ =	strace s3  }
0x95: {  	s3 =	sld [smem:$0x3FFD];
	_ =	sdelay $0x3  }
0x96: {  	_ =	strace s3  }
0x97: {  	_ =	strace $0x8FFFFFFF  }
0x98: {  	s19 =	sld [smem:$0x3FDB];
	_ =	sdelay $0x1  }
0x99: {  	s4 =	simm.s32 $_scs_section_size  }
0x9a: {  	s5 =	simm.s32 $_size__tile_overlayer_lowered;
	s6 =	simm.s32 $_tile_overlayer_lowered  }
0x9b: {  	s22 =	simm.s32 $0x1BFF;
	s21 =	sshll.u32 s6, $0x1;
	s3 =	sadd.s32 s4, s19  }
0x9c: {  	s7 =	simm.s32 $0x0;
	s20 =	sshll.u32 s5, $0x1;
	s5 =	sadd.s32 s21, s3  }
0x9d: {  	[timem:s7], [sflag:s22] =	dma.local [hbm:s5], s20  }
0x9e: {  	_ =	swait.ge [sflag:s22], s20  }
0x9f: {  	s4 =	ssub.s32 $0x0, s20;
	[sflag:s22] =	ssyncset.done $0x0  }
0xa0: {  	[sflag:s22] =	ssyncadd.s32 s4;
	_ =	sdelay $0x1  }
0xa1: {  	s23 =	simm.s32 $0x1B8B  }
0xa2: {  	_ =	swait.ge [sflag:s23], $0x1  }
0xa3: {  	[sflag:s23] =	ssyncset.done $0x0  }
0xa4: {  	s25 =	simm.s32 $0x1B8E;
	s24 =	sld [smem:$0x3FFE];
	[sflag:s23] =	ssyncadd.s32 $0xFFFFFFFF  }
0xa5: {  	s26 =	simm.s32 $execute0_lowered;
	[smem:$0x3FD2] =	sst s25  }
0xa6: {  	s5 =	sshll.u32 s26, $0x1;
	_ =	strace $0x80000049;
	[dreg:$0x1] =	wrdreg $0xFFFFFFFF  }
0xa7: {  	s28 =	simm.s32 $_size_execute0_lowered;
	s3 =	sadd.s32 s3, s5;
	[dreg:$0x0] =	wrdreg $0x0  }
0xa8: {  	s5 =	sshll.u32 s28, $0x1;
	[dreg:$0x2] =	wrdreg s3  }
0xa9: {  	[dreg:$0x3] =	wrdreg s5  }
0xaa: {  	[dreg:$0x4] =	wrdreg $0xC0  }
0xab: {  	_ =	task [dreg:s7], $0x5FFFF  }
0xac: {  	[dreg:$0x1] =	wrdreg $0xFFFFFFFF  }
0xad: {  	[dreg:$0x0] =	wrdreg $0x60  }
0xae: {  	[dreg:$0x2] =	wrdreg s24  }
0xaf: {  	[dreg:$0x3] =	wrdreg s2  }
0xb0: {  	[dreg:$0x4] =	wrdreg $0x9  }
0xb1: {  	_ =	task.clear_ibuf [dreg:s7], $0x5FFFF;
	_ =	strace $0x90000049  }
0xb2: {  	s29 =	simm.s32 $0x9;
	_ =	strace $0x8000004B  }
0xb3: {  	_ =	swait.ge [sflag:s29], $0x1  }
0xb4: {  	[sflag:s29] =	ssyncadd.s32 $0xFFFFFFFF  }
0xb5: {  	_ =	strace $0x9000004B  }
0xb6: {  	_ =	sfence  }
0xb7: {  	s30 =	sld [smem:$0x0];
	_ =	sdelay $0x2  }
0xb8: {  	s31 =	sshll.u32 s1, $0xD;
	s1 =	sshrl.u32 s1, $0x2  }
0xb9: {  	s3 =	sand.u32 $0x4000, s31;
	s1 =	sadd.s32 s1, s30  }
0xba: {  	s0 =	sor.u32 s3, s0;
	s1 =	sshll.u32 s1, $0x11  }
0xbb: {  	s0 =	sor.u32 s1, s0  }
0xbc: {  	s0 =	sadd.s32 $0x8F2B, s0  }
0xbd: {  	[sflag:s0] =	ssyncadd.remote.s32 $0x1  }
0xbe: {  	_ =	sfence.sel $0xFFFF  }
0xbf: {  	[dreg:$0x0] =	wrdreg $0xFFFFFFFF;
	(pc) =	sbr.abs _section_cstart, $3  }
0xc0: {  	[dreg:$0x1] =	wrdreg $0xFFFFFFFF  }
0xc1: {  	_ =	task.clear_ibuf [dreg:s7], $0x2FFFF;
	_ =	strace $0x9FFFFFFF  }
0xc2: {  	(tm) =	ssettm $0x7FFFFFFF  }
0xc3: {  	_ =	shalt  }
tec
execute0_lowered:
.L_overlay_start_1:
0x0: {  	(tag) =	ssettag $0x1  }
0x1: {  	s11 =	rddreg [dreg:$0x0]  }
0x2: {  	s15 =	rddreg [dreg:$0x1];
	s2 =	srdreg.scid  }
0x3: {  	s0 =	rddreg [dreg:$0x2];
	s1 =	stileid.u32;
	s17 =	sand.u32 $0x1, s2  }
0x4: {  	s2 =	simm.s32 $0x0;
	s3 =	sshll.u32 s1, $0x4;
	s4 =	sshll.u32 s17, $0x3  }
0x5: {  	[smem:$0x7FF] =	sst s2;
	s18 =	sor.u32 s4, s3  }
0x6: {  	_ =	strace $0x8000004A;
	s3 =	simm.s32 $0x2;
	s4 =	sadd.s32 s11, s18  }
0x7: {  	[tilespmem:s2], [sflag:$0x2] =	stream.linear.gather [hbm4b:s4+s2], $0x40, $0x38;
	[tilespmem:$0x380] =	vst v63  }
0x8: {  	_ =	swait.ge [sflag:s3], $0x40  }
0x9: {  	[sflag:s3] =	ssyncset.done $0x0  }
0xa: {  	s6 =	simm.s32 $0x80;
	s5 =	sadd.s32 $0x200, s4;
	[sflag:s3] =	ssyncadd.s32 $0xFFFFFFC0  }
0xb: {  	[tilespmem:s6], [sflag:$0x2] =	stream.linear.gather [hbm4b:s5+s2], $0x40, $0x38;
	[tilespmem:$0x380] =	vst v63  }
0xc: {  	_ =	swait.ge [sflag:s3], $0x40  }
0xd: {  	[sflag:s3] =	ssyncset.done $0x0  }
0xe: {  	s8 =	simm.s32 $0x200;
	s7 =	sadd.s32 $0x78400, s4;
	[sflag:s3] =	ssyncadd.s32 $0xFFFFFFC0  }
0xf: {  	[tilespmem:s8], [sflag:$0x2] =	stream.linear.gather [hbm4b:s7+s2], $0x40, $0x38;
	[tilespmem:$0x380] =	vst v63  }
0x10: {  	_ =	swait.ge [sflag:s3], $0x40  }
0x11: {  	[sflag:s3] =	ssyncset.done $0x0  }
0x12: {  	s10 =	simm.s32 $0x280;
	s9 =	sadd.s32 $0x78600, s4;
	[sflag:s3] =	ssyncadd.s32 $0xFFFFFFC0  }
0x13: {  	[tilespmem:s10], [sflag:$0x2] =	stream.linear.gather [hbm4b:s9+s2], $0x40, $0x38;
	[tilespmem:$0x380] =	vst v63  }
0x14: {  	_ =	swait.ge [sflag:s3], $0x40  }
0x15: {  	s12 =	simm.s32 $0x40;
	s13 =	simm.s32 $0x100;
	[sflag:s3] =	ssyncset.done $0x0  }
0x16: {  	s14 =	simm.s32 $0x1;
	s11 =	sadd.s32 $0x400, s11;
	[sflag:s3] =	ssyncadd.s32 $0xFFFFFFC0  }
0x17: {  	[tilespmem:s13], [sflag:$0x1] =	stream.indirect.gather [hbm4b:s11+s12], $0x1, s2, s12, $0xb8;
	[tilespmem:$0x380] =	vst v63  }
0x18: {  	_ =	swait.ge [sflag:s14], $0x40  }
0x19: {  	[sflag:s14] =	ssyncset.done $0x0  }
0x1a: {  	s16 =	simm.s32 $0x180;
	[sflag:s14] =	ssyncadd.s32 $0xFFFFFFC0  }
0x1b: {  	[tilespmem:s16], [sflag:$0x1] =	stream.indirect.gather [hbm4b:s11+s12], $0x1, s6, s12, $0xb8;
	[tilespmem:$0x380] =	vst v63  }
0x1c: {  	_ =	swait.ge [sflag:s14], $0x40  }
0x1d: {  	[sflag:s14] =	ssyncset.done $0x0  }
0x1e: {  	[sflag:s14] =	ssyncadd.s32 $0xFFFFFFC0  }
0x1f: {  	v0 =	vld [tilespmem:$0x1B0]  }
0x20: {  	s17 =	ssub.s32 $0x2, s17;
	v7 =	vld [tilespmem:$0x1A0]  }
0x21: {  	s19 =	sshrl.u32 s17, $0x1;
	v8 =	vld [tilespmem:$0x2A0]  }
0x22: {  	s17 =	ssub.s32 s17, s19;
	v1 =	vld [tilespmem:$0x120]  }
0x23: {  	s19 =	smax.u32 s17, $0x1;
	v3 =	vld [tilespmem:$0x220]  }
0x24: {  	p0 =	sne.s32 s19, $0x1;
	v2 =	vld [tilespmem:$0x110]  }
.Ltmp0:
0x25: {  	v4 =	vld [tilespmem:$0x190];
	(pc) =	sbr.rel @!p0 .LBB2_2-.Ltmp0, $4  }
0x26: {  	v6 =	vld [tilespmem:$0x290]  }
0x27: {  	v5 =	vld [tilespmem:$0x180]  }
0x28: {  	v9 =	vld [tilespmem:$0x210]  }
0x29: {  	s15 =	sadd.s32 s15, s18;
	s17 =	simm.s32 $0x300;
	s18 =	sadd.s32 $0xFFFFFFFF, s19;
	v7 =	vmul.f32 v7, v8;
	v8 =	vld [tilespmem:$0x100]  }
.LBB2_1:
0x2a: {  	p0 =	sne.s32 s18, $0x1;
	s18 =	sadd.s32 $0xFFFFFFFF, s18;
	v10 =	vld [tilespmem:$0x130]  }
0x2b: {  	v11 =	vld [tilespmem:$0x280]  }
0x2c: {  	v12 =	vld [tilespmem:$0x2B0]  }
0x2d: {  	v13 =	vld [tilespmem:$0x200]  }
0x2e: {  	v1 =	vmul.f32 v1, v3;
	v3 =	vld [tilespmem:$0x230];
	_ =	sdelay $0x1  }
0x2f: {  	v4 =	vmul.f32 v4, v6;
	v1 =	vadd.f32 v7, v1;
	v2 =	vmul.f32 v2, v9  }
0x30: {  	v0 =	vmul.f32 v0, v12  }
0x31: {  	v2 =	vadd.f32 v4, v2;
	v5 =	vmul.f32 v5, v11;
	v6 =	vmul.f32 v8, v13;
	[tilespmem:$0x320] =	vst v1  }
0x32: {  	v1 =	vmul.f32 v10, v3  }
0x33: {  	v3 =	vadd.f32 v5, v6;
	[tilespmem:$0x310] =	vst v2  }
0x34: {  	v0 =	vadd.f32 v0, v1  }
0x35: {  	[tilespmem:$0x300] =	vst v3  }
0x36: {  	[tilespmem:$0x330] =	vst v0  }
0x37: {  	[hbm4b:s15+s2] =	stream.linear.scatter [tilespmem:s17], [sflag:$0x2], $0x40, $0x38;
	[tilespmem:$0x380] =	vst v63  }
0x38: {  	_ =	swait.ge [sflag:s3], $0x40  }
0x39: {  	[sflag:s3] =	ssyncset.done $0x0  }
0x3a: {  	[sflag:s3] =	ssyncadd.s32 $0xFFFFFFC0  }
0x3b: {  	[tilespmem:s2], [sflag:$0x2] =	stream.linear.gather [hbm4b:s4+s2], $0x40, $0x38;
	[tilespmem:$0x380] =	vst v63  }
0x3c: {  	_ =	swait.ge [sflag:s3], $0x40  }
0x3d: {  	[sflag:s3] =	ssyncset.done $0x0  }
0x3e: {  	[sflag:s3] =	ssyncadd.s32 $0xFFFFFFC0  }
0x3f: {  	[tilespmem:s6], [sflag:$0x2] =	stream.linear.gather [hbm4b:s5+s2], $0x40, $0x38;
	[tilespmem:$0x380] =	vst v63  }
0x40: {  	_ =	swait.ge [sflag:s3], $0x40  }
0x41: {  	[sflag:s3] =	ssyncset.done $0x0  }
0x42: {  	[sflag:s3] =	ssyncadd.s32 $0xFFFFFFC0  }
0x43: {  	[tilespmem:s8], [sflag:$0x2] =	stream.linear.gather [hbm4b:s7+s2], $0x40, $0x38;
	[tilespmem:$0x380] =	vst v63  }
0x44: {  	_ =	swait.ge [sflag:s3], $0x40  }
0x45: {  	[sflag:s3] =	ssyncset.done $0x0  }
0x46: {  	[sflag:s3] =	ssyncadd.s32 $0xFFFFFFC0  }
0x47: {  	[tilespmem:s10], [sflag:$0x2] =	stream.linear.gather [hbm4b:s9+s2], $0x40, $0x38;
	[tilespmem:$0x380] =	vst v63  }
0x48: {  	_ =	swait.ge [sflag:s3], $0x40  }
0x49: {  	[sflag:s3] =	ssyncset.done $0x0  }
0x4a: {  	[sflag:s3] =	ssyncadd.s32 $0xFFFFFFC0  }
0x4b: {  	[tilespmem:s13], [sflag:$0x1] =	stream.indirect.gather [hbm4b:s11+s12], $0x1, s2, s12, $0xb8;
	[tilespmem:$0x380] =	vst v63  }
0x4c: {  	_ =	swait.ge [sflag:s14], $0x40  }
0x4d: {  	[sflag:s14] =	ssyncset.done $0x0  }
0x4e: {  	[sflag:s14] =	ssyncadd.s32 $0xFFFFFFC0  }
0x4f: {  	[tilespmem:s16], [sflag:$0x1] =	stream.indirect.gather [hbm4b:s11+s12], $0x1, s6, s12, $0xb8;
	[tilespmem:$0x380] =	vst v63  }
0x50: {  	_ =	swait.ge [sflag:s14], $0x40  }
0x51: {  	[sflag:s14] =	ssyncset.done $0x0  }
0x52: {  	[sflag:s14] =	ssyncadd.s32 $0xFFFFFFC0  }
0x53: {  	v0 =	vld [tilespmem:$0x1B0]  }
0x54: {  	v5 =	vld [tilespmem:$0x1A0]  }
0x55: {  	v7 =	vld [tilespmem:$0x2A0]  }
0x56: {  	v1 =	vld [tilespmem:$0x120]  }
0x57: {  	v3 =	vld [tilespmem:$0x220]  }
0x58: {  	v2 =	vld [tilespmem:$0x110]  }
.Ltmp1:
0x59: {  	v4 =	vld [tilespmem:$0x190];
	(pc) =	sbr.rel @p0 .LBB2_1-.Ltmp1, $4  }
0x5a: {  	v6 =	vld [tilespmem:$0x290];
	v7 =	vmul.f32 v5, v7  }
0x5b: {  	v5 =	vld [tilespmem:$0x180]  }
0x5c: {  	v9 =	vld [tilespmem:$0x210]  }
0x5d: {  	v8 =	vld [tilespmem:$0x100]  }
.LBB2_2:
0x5e: {  	v10 =	vld [tilespmem:$0x130]  }
0x5f: {  	v11 =	vld [tilespmem:$0x280]  }
0x60: {  	v12 =	vld [tilespmem:$0x2B0]  }
0x61: {  	v13 =	vld [tilespmem:$0x200]  }
0x62: {  	v14 =	vld [tilespmem:$0x230];
	_ =	sdelay $0x1  }
0x63: {  	v1 =	vmul.f32 v1, v3  }
0x64: {  	v60 =	vmul.f32 v4, v6;
	v2 =	vmul.f32 v2, v9  }
0x65: {  	v1 =	vadd.f32 v7, v1;
	v61 =	vmul.f32 v8, v13;
	v5 =	vmul.f32 v5, v11  }
0x66: {  	v0 =	vmul.f32 v0, v12;
	v2 =	vadd.f32 v60, v2;
	v62 =	vmul.f32 v10, v14  }
0x67: {  	[tilespmem:$0x320] =	vst v1;
	v63 =	vadd.f32 v5, v61  }
0x68: {  	[tilespmem:$0x310] =	vst v2;
	v0 =	vadd.f32 v0, v62  }
0x69: {  	[tilespmem:$0x300] =	vst v63  }
0x6a: {  	[tilespmem:$0x330] =	vst v0  }
0x6b: {  	[hbm4b:s15+s2] =	stream.linear.scatter [tilespmem:s17], [sflag:$0x2], $0x40, $0x38;
	[tilespmem:$0x380] =	vst v63  }
0x6c: {  	_ =	swait.ge [sflag:s3], $0x40  }
0x6d: {  	[sflag:s3] =	ssyncset.done $0x0  }
0x6e: {  	[sflag:s3] =	ssyncadd.s32 $0xFFFFFFC0  }
0x6f: {  	_ =	sfence.sel $0x180000  }
0x70: {  	[bflag:$0x0] =	sbarrier.arrive $0xFFFF  }
0x71: {  	p0 =	sne.s32 s1, $0x0;
	_ =	strace $0x9000004A  }
0x72: {  	s0 =	sadd.s32 @!p0 $0x100000, s0;
	[bflag:$0x2] =	sbarrier.arrive $0xFFFF  }
0x73: {  	[sflag:s0] =	ssyncadd.tile.s32 @!p0 $0x1;
	_ =	shalt  }
.Lfunc_end2:
_tile_overlayer_lowered:
.L_overlay_start_2:
0x74: {  	(tag) =	ssettag $0x2  }
0x75: {  	s0 =	rddreg [dreg:$0x0];
	s2 =	stileid.u32  }
0x76: {  	s1 =	rddreg [dreg:$0x1];
	p0 =	sne.s32 s2, $0x0  }
0x77: {  	s3 =	rddreg [dreg:$0x2];
	[bflag:$0x3] =	sbarrier.arrive $0xFFFF;
	s2 =	simm.s32 @!p0 $0x1C02  }
0x78: {  	[timem:s3], [sflag:s2] =	dma.local @!p0 [hbm:s0], s1  }
0x79: {  	s0 =	simm.s32 @!p0 $0x2  }
0x7a: {  	_ =	swait.ge @!p0 [sflag:s0], s1  }
0x7b: {  	s1 =	ssub.s32 @!p0 $0x0, s1;
	[sflag:s0] =	ssyncset.done @!p0 $0x0  }
0x7c: {  	[sflag:s0] =	ssyncadd.s32 @!p0 s1  }
0x7d: {  	[bflag:$0x3] =	sbarrier.arrive $0xFFFF  }
0x7e: {  	_ =	shalt  }

// kernel: kernel.7.cloned.1.call-start
scs
__scs_entry_jumppad:
0x0: {  	(pc) =	sbr.rel $0x88, $3  }
0x1: {  	(tag) =	ssettag $0x0;
	lr =	simm.s32 $0x1  }
0x2: {  	[smem:$0x3F98] =	sst lr;
	_ =	strace $0xD0000000  }
0x3: {  	_ = 	snop  }
0x4: {  	_ = 	snop  }
0x5: {  	_ = 	snop  }
0x6: {  	_ = 	snop  }
0x7: {  	_ = 	snop  }
__scs_overlays_trampoline_lowered:
0x8: {  	[smem:$0x3FA7] =	sst s0  }
0x9: {  	[smem:$0x3FA8] =	sst s1  }
0xa: {  	[smem:$0x3FA9] =	sst s2  }
0xb: {  	[smem:$0x3FAA] =	sst s3  }
0xc: {  	[smem:$0x3FAB] =	sst s4  }
0xd: {  	[smem:$0x3FAC] =	sst s5  }
0xe: {  	[smem:$0x3FAD] =	sst s6  }
0xf: {  	[smem:$0x3FAE] =	sst s7  }
0x10: {  	[smem:$0x3FAF] =	sst s8  }
0x11: {  	[smem:$0x3FB0] =	sst s9;
	s0 =	simm.s32 @!p0 $0x0  }
0x12: {  	s1 =	sld [smem:$0x3F96];
	s0 =	simm.s32 @p0 $0x1  }
0x13: {  	[smem:$0x3FB1] =	sst s0;
	s0 =	simm.s32 @!p1 $0x0  }
0x14: {  	s2 =	sld [smem:$0x3F95];
	s0 =	simm.s32 @p1 $0x1  }
0x15: {  	[smem:$0x3FB2] =	sst s0;
	s0 =	simm.s32 @!p2 $0x0  }
0x16: {  	s3 =	sld [smem:$0x3FDB];
	s0 =	simm.s32 @p2 $0x1  }
0x17: {  	s4 =	simm.s32 $0x1BF5;
	[smem:$0x3FB4] =	sst s0  }
0x18: {  	s0 =	sld [smem:$0x3F97];
	_ =	swait.ge [sflag:s4], $0x0  }
0x19: {  	s7 =	sld [smem:$0x3F98]  }
0x1a: {  	s8 =	sadd.s32 $0xFFFFE003, lr  }
0x1b: {  	s9 =	sadd.s32 $0xFFFFFEF7, lr;
	s5 =	simm.s32 $0xFFFFFFFF;
	p2 =	slt.u32 s8, $0xFFFFF086  }
0x1c: {  	p1 =	slt.u32 s9, $0xF7A;
	s5 =	simm.s32 @!p2 $0x0  }
0x1d: {  	s5 =	simm.s32 @p1 $0x1;
	p0 =	seq.s32 s7, s2  }
0x1e: {  	s7 =	smul.u32 @!p0 $0xF7A, s2;
	p2 =	seq.s32 @!p0 s5, $0x0  }
0x1f: {  	s9 =	smul.u32 $0xF7A, s1;
	s8 =	simm.s32 @!p0 $0x1BF5;
	p2 =	por !p2, p0  }
0x20: {  	[sflag:s8] =	ssyncset.s32 @!p0 $0xFFFFF086;
	s6 =	sadd.s32 @!p0 s3, s7;
	s7 =	simm.s32 @!p0 $0x108  }
0x21: {  	s3 =	sadd.s32 s3, s9;
	s6 =	sadd.s32 @!p0 $0x88, s6;
	s7 =	simm.s32 @p2 $0x1082  }
0x22: {  	[simem:s7], [sflag:s8] =	dma.local @!p0 [hbm:s6], $0xF7A  }
0x23: {  	s9 =	sor.u32 $0xD0000000, s2;
	s6 =	simm.s32 $0x108;
	_ =	swait.ge @!p0 [sflag:s8], $0x0  }
0x24: {  	s3 =	sadd.s32 $0x88, s3;
	s6 =	simm.s32 @!p1 $0x1082;
	[sflag:s4] =	ssyncset.s32 $0xFFFFF086  }
0x25: {  	[simem:s6], [sflag:s4] =	dma.local [hbm:s3], $0xF7A  }
0x26: {  	[smem:$0x3F98] =	sst s1;
	(tag) =	ssettag s2;
	_ =	strace s9  }
0x27: {  	s1 =	sld [smem:$0x3FA8]  }
0x28: {  	s2 =	sld [smem:$0x3FA9]  }
0x29: {  	s4 =	sld [smem:$0x3FAB]  }
0x2a: {  	p0 =	seq.s32 s5, $0x0;
	s5 =	sld [smem:$0x3FAC]  }
0x2b: {  	s6 =	sld [smem:$0x3FAD]  }
0x2c: {  	s7 =	sld [smem:$0x3FAE]  }
0x2d: {  	s3 =	simm.s32 $0x108;
	s8 =	sld [smem:$0x3FAF]  }
0x2e: {  	s3 =	simm.s32 @!p0 $0x1082;
	s9 =	sld [smem:$0x3FB0]  }
0x2f: {  	lr =	sadd.s32 s0, s3;
	s0 =	sld [smem:$0x3FA7]  }
0x30: {  	s3 =	sld [smem:$0x3FAA]  }
0x31: {  	[smem:$0x3FB3] =	sst s10  }
0x32: {  	s10 =	sld [smem:$0x3FB1];
	_ =	sdelay $0x3  }
0x33: {  	p0 =	seq.s32 s10, $0x1;
	s10 =	sld [smem:$0x3FB3];
	_ =	sdelay $0x3  }
0x34: {  	[smem:$0x3FB3] =	sst s10  }
0x35: {  	s10 =	sld [smem:$0x3FB2];
	_ =	sdelay $0x3  }
0x36: {  	p1 =	seq.s32 s10, $0x1;
	s10 =	sld [smem:$0x3FB3];
	_ =	sdelay $0x3  }
0x37: {  	[smem:$0x3FB3] =	sst s10  }
0x38: {  	s10 =	sld [smem:$0x3FB4]  }
0x39: {  	_ = 	snop;
	(pc) =	sbr.ind lr, $3  }
0x3a: {  	_ = 	snop  }
0x3b: {  	_ = 	snop  }
0x3c: {  	p2 =	seq.s32 s10, $0x1;
	s10 =	sld [smem:$0x3FB3]  }
0x3d: {  	_ =	shalt  }
0x3e: {  	_ =	shalt  }
0x3f: {  	_ =	shalt  }
0x40: {  	_ =	shalt  }
0x41: {  	_ =	shalt  }
0x42: {  	_ =	shalt  }
0x43: {  	_ =	shalt  }
0x44: {  	_ =	shalt  }
0x45: {  	_ =	shalt  }
0x46: {  	_ =	shalt  }
0x47: {  	_ =	shalt  }
0x48: {  	_ =	shalt  }
0x49: {  	_ =	shalt  }
0x4a: {  	_ =	shalt  }
0x4b: {  	_ =	shalt  }
0x4c: {  	_ =	shalt  }
0x4d: {  	_ =	shalt  }
0x4e: {  	_ =	shalt  }
0x4f: {  	_ =	shalt  }
0x50: {  	_ =	shalt  }
0x51: {  	_ =	shalt  }
0x52: {  	_ =	shalt  }
0x53: {  	_ =	shalt  }
0x54: {  	_ =	shalt  }
0x55: {  	_ =	shalt  }
0x56: {  	_ =	shalt  }
0x57: {  	_ =	shalt  }
0x58: {  	_ =	shalt  }
0x59: {  	_ =	shalt  }
0x5a: {  	_ =	shalt  }
0x5b: {  	_ =	shalt  }
0x5c: {  	_ =	shalt  }
0x5d: {  	_ =	shalt  }
0x5e: {  	_ =	shalt  }
0x5f: {  	_ =	shalt  }
0x60: {  	_ =	shalt  }
0x61: {  	_ =	shalt  }
0x62: {  	_ =	shalt  }
0x63: {  	_ =	shalt  }
0x64: {  	_ =	shalt  }
0x65: {  	_ =	shalt  }
0x66: {  	_ =	shalt  }
0x67: {  	_ =	shalt  }
0x68: {  	_ =	shalt  }
0x69: {  	_ =	shalt  }
0x6a: {  	_ =	shalt  }
0x6b: {  	_ =	shalt  }
0x6c: {  	_ =	shalt  }
0x6d: {  	_ =	shalt  }
0x6e: {  	_ =	shalt  }
0x6f: {  	_ =	shalt  }
0x70: {  	_ =	shalt  }
0x71: {  	_ =	shalt  }
0x72: {  	_ =	shalt  }
0x73: {  	_ =	shalt  }
0x74: {  	_ =	shalt  }
0x75: {  	_ =	shalt  }
0x76: {  	_ =	shalt  }
0x77: {  	_ =	shalt  }
0x78: {  	_ =	shalt  }
0x79: {  	_ =	shalt  }
0x7a: {  	_ =	shalt  }
0x7b: {  	_ =	shalt  }
0x7c: {  	_ =	shalt  }
0x7d: {  	_ =	shalt  }
0x7e: {  	_ =	shalt  }
0x7f: {  	_ =	shalt  }
0x80: {  	_ =	shalt  }
0x81: {  	_ =	shalt  }
0x82: {  	_ =	shalt  }
0x83: {  	_ =	shalt  }
0x84: {  	_ =	shalt  }
0x85: {  	_ =	shalt  }
0x86: {  	_ =	shalt  }
0x87: {  	_ =	shalt  }
.Lfunc_end0:
.L_simem_size_0:
called_computation_lowered:
.L_overlay_start_0:
0x88: {  	s2 =	sld [smem:$0x3FD9]  }
0x89: {  	s3 =	sld [smem:$0x3FFE];
	_ =	sdelay $0x1  }
0x8a: {  	s1 =	srdreg.scid  }
0x8b: {  	s0 =	sand.u32 $0x1, s1  }
0x8c: {  	s17 =	sshll.u32 s0, $0xA;
	s2 =	sadd.s32 s3, s2  }
0x8d: {  	s2 =	sadd.s32 s2, s17  }
0x8e: {  	[smem:$0x3FBF] =	sst s2  }
0x8f: {  	_ = 	snop  }
0x90: {  	s2 =	sld [smem:$0x3FC9];
	(tm) =	ssettm $0x1  }
0x91: {  	s18 =	sld [smem:$0x3FFB];
	_ =	sdelay $0x3  }
0x92: {  	_ =	strace s18  }
0x93: {  	s3 =	sld [smem:$0x3FFC];
	_ =	sdelay $0x3  }
0x94: {  	_ =	strace s3  }
0x95: {  	s3 =	sld [smem:$0x3FFD];
	_ =	sdelay $0x3  }
0x96: {  	_ =	strace s3  }
0x97: {  	_ =	strace $0x8FFFFFFF  }
0x98: {  	s19 =	sld [smem:$0x3FDB];
	_ =	sdelay $0x1  }
0x99: {  	s4 =	simm.s32 $_scs_section_size  }
0x9a: {  	s5 =	simm.s32 $_size__tile_overlayer_lowered;
	s6 =	simm.s32 $_tile_overlayer_lowered  }
0x9b: {  	s22 =	simm.s32 $0x1BFF;
	s21 =	sshll.u32 s6, $0x1;
	s3 =	sadd.s32 s4, s19  }
0x9c: {  	s7 =	simm.s32 $0x0;
	s20 =	sshll.u32 s5, $0x1;
	s5 =	sadd.s32 s21, s3  }
0x9d: {  	[timem:s7], [sflag:s22] =	dma.local [hbm:s5], s20  }
0x9e: {  	_ =	swait.ge [sflag:s22], s20  }
0x9f: {  	s4 =	ssub.s32 $0x0, s20;
	[sflag:s22] =	ssyncset.done $0x0  }
0xa0: {  	[sflag:s22] =	ssyncadd.s32 s4;
	_ =	sdelay $0x1  }
0xa1: {  	s23 =	simm.s32 $0x1B8B  }
0xa2: {  	_ =	swait.ge [sflag:s23], $0x1  }
0xa3: {  	[sflag:s23] =	ssyncset.done $0x0  }
0xa4: {  	s25 =	simm.s32 $0x1B8E;
	s24 =	sld [smem:$0x3FFE];
	[sflag:s23] =	ssyncadd.s32 $0xFFFFFFFF  }
0xa5: {  	s26 =	simm.s32 $execute0_lowered;
	[smem:$0x3FD2] =	sst s25  }
0xa6: {  	s5 =	sshll.u32 s26, $0x1;
	_ =	strace $0x80000046;
	[dreg:$0x1] =	wrdreg $0xFFFFFFFF  }
0xa7: {  	s28 =	simm.s32 $_size_execute0_lowered;
	s3 =	sadd.s32 s3, s5;
	[dreg:$0x0] =	wrdreg $0x0  }
0xa8: {  	s5 =	sshll.u32 s28, $0x1;
	[dreg:$0x2] =	wrdreg s3  }
0xa9: {  	[dreg:$0x3] =	wrdreg s5  }
0xaa: {  	[dreg:$0x4] =	wrdreg $0xC0  }
0xab: {  	_ =	task [dreg:s7], $0x5FFFF  }
0xac: {  	[dreg:$0x1] =	wrdreg $0xFFFFFFFF  }
0xad: {  	[dreg:$0x0] =	wrdreg $0x60  }
0xae: {  	[dreg:$0x2] =	wrdreg s2  }
0xaf: {  	[dreg:$0x3] =	wrdreg s24  }
0xb0: {  	[dreg:$0x4] =	wrdreg $0x9  }
0xb1: {  	_ =	task.clear_ibuf [dreg:s7], $0x5FFFF;
	_ =	strace $0x90000046  }
0xb2: {  	s29 =	simm.s32 $0x9;
	_ =	strace $0x80000048  }
0xb3: {  	_ =	swait.ge [sflag:s29], $0x1  }
0xb4: {  	[sflag:s29] =	ssyncadd.s32 $0xFFFFFFFF  }
0xb5: {  	_ =	strace $0x90000048  }
0xb6: {  	_ =	sfence  }
0xb7: {  	s30 =	sld [smem:$0x0];
	_ =	sdelay $0x2  }
0xb8: {  	s31 =	sshll.u32 s1, $0xD;
	s1 =	sshrl.u32 s1, $0x2  }
0xb9: {  	s3 =	sand.u32 $0x4000, s31;
	s1 =	sadd.s32 s1, s30  }
0xba: {  	s0 =	sor.u32 s3, s0;
	s1 =	sshll.u32 s1, $0x11  }
0xbb: {  	s0 =	sor.u32 s1, s0  }
0xbc: {  	s0 =	sadd.s32 $0x8F2B, s0  }
0xbd: {  	[sflag:s0] =	ssyncadd.remote.s32 $0x1  }
0xbe: {  	_ =	sfence.sel $0xFFFF  }
0xbf: {  	[dreg:$0x0] =	wrdreg $0xFFFFFFFF;
	(pc) =	sbr.abs _section_cstart, $3  }
0xc0: {  	[dreg:$0x1] =	wrdreg $0xFFFFFFFF  }
0xc1: {  	_ =	task.clear_ibuf [dreg:s7], $0x2FFFF;
	_ =	strace $0x9FFFFFFF  }
0xc2: {  	(tm) =	ssettm $0x7FFFFFFF  }
0xc3: {  	_ =	shalt  }
tec
execute0_lowered:
.L_overlay_start_1:
0x0: {  	(tag) =	ssettag $0x1  }
0x1: {  	s1 =	rddreg [dreg:$0x0]  }
0x2: {  	s0 =	rddreg [dreg:$0x1];
	s2 =	simm.s32 $0x0  }
0x3: {  	s3 =	srdreg.scid;
	s8 =	stileid.u32;
	s17 =	simm.s32 $0x900  }
0x4: {  	s18 =	simm.s32 $0x1100;
	s19 =	simm.s32 $0x1900;
	s21 =	simm.s32 $0x2900  }
0x5: {  	s22 =	simm.s32 $0x3100;
	s25 =	simm.s32 $0x4900;
	s28 =	simm.s32 $0x5900  }
0x6: {  	s29 =	simm.s32 $0x6100;
	s30 =	simm.s32 $0x6900;
	s31 =	simm.s32 $0x7100  }
0x7: {  	[smem:$0x7FF] =	sst s2;
	s10 =	sadd.s32 $0x200, s0;
	s3 =	sand.u32 $0x1, s3  }
0x8: {  	s4 =	sadd.s32 $0x400, s0;
	s6 =	sshll.u32 s8, $0x8;
	p0 =	slt.u32 s8, $0x8  }
0x9: {  	s8 =	sadd.s32 $0x600, s0;
	_ =	strace $0x80000047;
	s5 =	ssub.s32 $0x2, s3  }
0xa: {  	s3 =	sshll.u32 s3, $0x7;
	s6 =	sand.u32 $0x700, s6;
	s10 =	smov.u32 @p0 s0  }
0xb: {  	v10 =	vlaneseq.u32;
	s7 =	sshrl.u32 s5, $0x1;
	s13 =	sor.u32 s3, s6;
	s6 =	sadd.s32 $0x200, s1  }
0xc: {  	s9 =	ssub.s32 s5, s7;
	s14 =	sshrl.u32 s13, $0x3;
	s15 =	sor.u32 $0x10, s13;
	v0 =	vor.u32 s13, v10  }
0xd: {  	s20 =	sor.u32 $0x20, s13;
	s23 =	sor.u32 $0x30, s13;
	s24 =	sor.u32 $0x40, s13;
	v3 =	vshrl.u32 v0, $0x3  }
0xe: {  	v5 =	vand.u32 $0x7, v10;
	v7 =	vshrl.u32 v10, $0x3;
	s3 =	sor.u32 $0x50, s13;
	s11 =	sor.u32 $0x60, s13;
	s12 =	sor.u32 $0x70, s13;
	v6 =	vmul.u32 $0x30, v3  }
0xf: {  	v7 =	vmul.u32 $0x8, v7;
	s5 =	sadd.s32 $0x100, s1;
	s7 =	sadd.s32 $0x500, s0;
	s13 =	simm.s32 $0x9900;
	v1 =	vor.u32 s15, v10;
	v2 =	vor.u32 s20, v10  }
0x10: {  	s9 =	smax.u32 s9, $0x1;
	s26 =	sadd.s32 s10, s14;
	v4 =	vor.u32 s24, v10;
	s15 =	simm.s32 $0x1;
	v8 =	vor.u32 v5, v6;
	v6 =	vor.u32 $0x8, v10  }
0x11: {  	v9 =	vor.u32 s11, v10;
	s20 =	simm.s32 $0x2100;
	s24 =	simm.s32 $0x4100;
	s11 =	simm.s32 $0x8900;
	v11 =	vperm.xlane v8, v5;
	v12 =	vperm.xlane v8, v6  }
0x12: {  	vm0 =	vmmov $0xffff;
	s14 =	simm.s32 $0xA100;
	s10 =	simm.s32 $0xA900;
	[dreg:$0x3] =	wrdreg s26;
	v3 =	vor.u32 s23, v10;
	v8 =	vor.u32 s3, v10  }
0x13: {  	s23 =	simm.s32 $0x3900;
	s26 =	simm.s32 $0x5100;
	v10 =	vor.u32 s12, v10;
	s12 =	simm.s32 $0x9100;
	v11 =	vadd.s32 v7, v11;
	v12 =	vadd.s32 v7, v12  }
.LBB2_1:
0x14: {  	s16 =	rddreg [dreg:$0x3];
	s0 =	simm.s32 $0x2  }
0x15: {  	[tilespmem:s2], [sflag:$0x2] =	stream.linear.gather [hbm4b:s16+s2], $0x80, $0x38;
	[tilespmem:$0x18100] =	vst v63  }
0x16: {  	_ =	swait.ge [sflag:s0], $0x80  }
0x17: {  	[sflag:s0] =	ssyncset.done $0x0  }
0x18: {  	[sflag:s0] =	ssyncadd.s32 $0xFFFFFF80  }
0x19: {  	[tilespmem:$0x80] =	vst v0  }
0x1a: {  	[tilespmem:$0x90] =	vst v1  }
0x1b: {  	[tilespmem:$0xA0] =	vst v2  }
0x1c: {  	[tilespmem:$0xB0] =	vst v3  }
0x1d: {  	[tilespmem:$0xC0] =	vst v4  }
0x1e: {  	[tilespmem:$0xD0] =	vst v8  }
0x1f: {  	[tilespmem:$0xE0] =	vst v9  }
0x20: {  	s16 =	simm.s32 $0x100;
	[tilespmem:$0xF0] =	vst v10  }
0x21: {  	[tilespmem:s16], [sflag:$0x1] =	stream.indirect_vreg.gather [hbm4b:s1+s2], $0x80, v11, vm0, $0xb8;
	[tilespmem:$0x18100] =	vst v63  }
0x22: {  	_ = 	snop  }
0x23: {  	[tilespmem:s17], [sflag:$0x1] =	stream.indirect_vreg.gather [hbm4b:s5+s2], $0x80, v11, vm0, $0xb8;
	[tilespmem:$0x18100] =	vst v63  }
0x24: {  	_ = 	snop  }
0x25: {  	[tilespmem:s18], [sflag:$0x1] =	stream.indirect_vreg.gather [hbm4b:s6+s2], $0x80, v11, vm0, $0xb8;
	[tilespmem:$0x18100] =	vst v63  }
0x26: {  	_ = 	snop  }
0x27: {  	[tilespmem:s19], [sflag:$0x1] =	stream.indirect_vreg.gather [hbm4b:s1+s2], $0x80, v12, vm0, $0xb8;
	[tilespmem:$0x18100] =	vst v63  }
0x28: {  	_ = 	snop  }
0x29: {  	[tilespmem:s20], [sflag:$0x1] =	stream.indirect_vreg.gather [hbm4b:s5+s2], $0x80, v12, vm0, $0xb8;
	[tilespmem:$0x18100] =	vst v63  }
0x2a: {  	_ = 	snop  }
0x2b: {  	[tilespmem:s21], [sflag:$0x1] =	stream.indirect_vreg.gather [hbm4b:s6+s2], $0x80, v12, vm0, $0xb8;
	[tilespmem:$0x18100] =	vst v63  }
0x2c: {  	v13 =	vld [tilespmem:$0x90];
	_ =	sdelay $0x4  }
0x2d: {  	v14 =	vshrl.u32 v13, $0x3  }
0x2e: {  	v14 =	vmul.u32 $0x30, v14  }
0x2f: {  	v13 =	vand.u32 $0x7, v13  }
0x30: {  	v13 =	vor.u32 v13, v14  }
0x31: {  	v14 =	vperm.xlane v13, v5;
	_ =	sdelay $0x1  }
0x32: {  	v14 =	vadd.s32 v7, v14;
	_ =	sdelay $0x3  }
0x33: {  	v13 =	vperm.xlane v13, v6  }
0x34: {  	[tilespmem:s22], [sflag:$0x1] =	stream.indirect_vreg.gather [hbm4b:s1+s2], $0x80, v14, vm0, $0xb8;
	[tilespmem:$0x18100] =	vst v63  }
0x35: {  	v13 =	vadd.s32 v7, v13  }
0x36: {  	[tilespmem:s23], [sflag:$0x1] =	stream.indirect_vreg.gather [hbm4b:s5+s2], $0x80, v14, vm0, $0xb8;
	[tilespmem:$0x18100] =	vst v63  }
0x37: {  	_ = 	snop  }
0x38: {  	[tilespmem:s24], [sflag:$0x1] =	stream.indirect_vreg.gather [hbm4b:s6+s2], $0x80, v14, vm0, $0xb8;
	[tilespmem:$0x18100] =	vst v63  }
0x39: {  	_ = 	snop  }
0x3a: {  	[tilespmem:s25], [sflag:$0x1] =	stream.indirect_vreg.gather [hbm4b:s1+s2], $0x80, v13, vm0, $0xb8;
	[tilespmem:$0x18100] =	vst v63  }
0x3b: {  	_ = 	snop  }
0x3c: {  	[tilespmem:s26], [sflag:$0x1] =	stream.indirect_vreg.gather [hbm4b:s5+s2], $0x80, v13, vm0, $0xb8;
	[tilespmem:$0x18100] =	vst v63  }
0x3d: {  	_ = 	snop  }
0x3e: {  	[tilespmem:s28], [sflag:$0x1] =	stream.indirect_vreg.gather [hbm4b:s6+s2], $0x80, v13, vm0, $0xb8;
	[tilespmem:$0x18100] =	vst v63  }
0x3f: {  	v13 =	vld [tilespmem:$0xA0];
	_ =	sdelay $0x4  }
0x40: {  	v14 =	vshrl.u32 v13, $0x3  }
0x41: {  	v14 =	vmul.u32 $0x30, v14  }
0x42: {  	v13 =	vand.u32 $0x7, v13  }
0x43: {  	v13 =	vor.u32 v13, v14  }
0x44: {  	v14 =	vperm.xlane v13, v5;
	_ =	sdelay $0x1  }
0x45: {  	v14 =	vadd.s32 v7, v14;
	_ =	sdelay $0x3  }
0x46: {  	v13 =	vperm.xlane v13, v6  }
0x47: {  	[tilespmem:s29], [sflag:$0x1] =	stream.indirect_vreg.gather [hbm4b:s1+s2], $0x80, v14, vm0, $0xb8;
	[tilespmem:$0x18100] =	vst v63  }
0x48: {  	v13 =	vadd.s32 v7, v13  }
0x49: {  	[tilespmem:s30], [sflag:$0x1] =	stream.indirect_vreg.gather [hbm4b:s5+s2], $0x80, v14, vm0, $0xb8;
	[tilespmem:$0x18100] =	vst v63  }
0x4a: {  	_ = 	snop  }
0x4b: {  	[tilespmem:s31], [sflag:$0x1] =	stream.indirect_vreg.gather [hbm4b:s6+s2], $0x80, v14, vm0, $0xb8;
	[tilespmem:$0x18100] =	vst v63  }
0x4c: {  	s3 =	simm.s32 $0x7900  }
0x4d: {  	[tilespmem:s3], [sflag:$0x1] =	stream.indirect_vreg.gather [hbm4b:s1+s2], $0x80, v13, vm0, $0xb8;
	[tilespmem:$0x18100] =	vst v63  }
0x4e: {  	s3 =	simm.s32 $0x8100  }
0x4f: {  	[tilespmem:s3], [sflag:$0x1] =	stream.indirect_vreg.gather [hbm4b:s5+s2], $0x80, v13, vm0, $0xb8;
	[tilespmem:$0x18100] =	vst v63  }
0x50: {  	_ = 	snop  }
0x51: {  	[tilespmem:s11], [sflag:$0x1] =	stream.indirect_vreg.gather [hbm4b:s6+s2], $0x80, v13, vm0, $0xb8;
	[tilespmem:$0x18100] =	vst v63  }
0x52: {  	v13 =	vld [tilespmem:$0xB0];
	_ =	sdelay $0x4  }
0x53: {  	v14 =	vshrl.u32 v13, $0x3  }
0x54: {  	v14 =	vmul.u32 $0x30, v14  }
0x55: {  	v13 =	vand.u32 $0x7, v13  }
0x56: {  	v13 =	vor.u32 v13, v14  }
0x57: {  	v14 =	vperm.xlane v13, v5;
	_ =	sdelay $0x1  }
0x58: {  	v14 =	vadd.s32 v7, v14;
	_ =	sdelay $0x3  }
0x59: {  	v13 =	vperm.xlane v13, v6  }
0x5a: {  	[tilespmem:s12], [sflag:$0x1] =	stream.indirect_vreg.gather [hbm4b:s1+s2], $0x80, v14, vm0, $0xb8;
	[tilespmem:$0x18100] =	vst v63  }
0x5b: {  	v13 =	vadd.s32 v7, v13  }
0x5c: {  	[tilespmem:s13], [sflag:$0x1] =	stream.indirect_vreg.gather [hbm4b:s5+s2], $0x80, v14, vm0, $0xb8;
	[tilespmem:$0x18100] =	vst v63  }
0x5d: {  	_ = 	snop  }
0x5e: {  	[tilespmem:s14], [sflag:$0x1] =	stream.indirect_vreg.gather [hbm4b:s6+s2], $0x80, v14, vm0, $0xb8;
	[tilespmem:$0x18100] =	vst v63  }
0x5f: {  	_ = 	snop  }
0x60: {  	[tilespmem:s10], [sflag:$0x1] =	stream.indirect_vreg.gather [hbm4b:s1+s2], $0x80, v13, vm0, $0xb8;
	[tilespmem:$0x18100] =	vst v63  }
0x61: {  	s0 =	simm.s32 $0xB100  }
0x62: {  	[tilespmem:s0], [sflag:$0x1] =	stream.indirect_vreg.gather [hbm4b:s5+s2], $0x80, v13, vm0, $0xb8;
	[tilespmem:$0x18100] =	vst v63  }
0x63: {  	s0 =	simm.s32 $0xB900  }
0x64: {  	[tilespmem:s0], [sflag:$0x1] =	stream.indirect_vreg.gather [hbm4b:s6+s2], $0x80, v13, vm0, $0xb8;
	[tilespmem:$0x18100] =	vst v63  }
0x65: {  	v13 =	vld [tilespmem:$0xC0];
	_ =	sdelay $0x4  }
0x66: {  	v14 =	vshrl.u32 v13, $0x3  }
0x67: {  	v14 =	vmul.u32 $0x30, v14  }
0x68: {  	v13 =	vand.u32 $0x7, v13  }
0x69: {  	v13 =	vor.u32 v13, v14  }
0x6a: {  	v14 =	vperm.xlane v13, v5;
	_ =	sdelay $0x1  }
0x6b: {  	v14 =	vadd.s32 v7, v14;
	_ =	sdelay $0x3  }
0x6c: {  	s0 =	simm.s32 $0xC100;
	v13 =	vperm.xlane v13, v6  }
0x6d: {  	[tilespmem:s0], [sflag:$0x1] =	stream.indirect_vreg.gather [hbm4b:s1+s2], $0x80, v14, vm0, $0xb8;
	[tilespmem:$0x18100] =	vst v63  }
0x6e: {  	v13 =	vadd.s32 v7, v13;
	s0 =	simm.s32 $0xC900  }
0x6f: {  	[tilespmem:s0], [sflag:$0x1] =	stream.indirect_vreg.gather [hbm4b:s5+s2], $0x80, v14, vm0, $0xb8;
	[tilespmem:$0x18100] =	vst v63  }
0x70: {  	s0 =	simm.s32 $0xD100  }
0x71: {  	[tilespmem:s0], [sflag:$0x1] =	stream.indirect_vreg.gather [hbm4b:s6+s2], $0x80, v14, vm0, $0xb8;
	[tilespmem:$0x18100] =	vst v63  }
0x72: {  	s0 =	simm.s32 $0xD900  }
0x73: {  	[tilespmem:s0], [sflag:$0x1] =	stream.indirect_vreg.gather [hbm4b:s1+s2], $0x80, v13, vm0, $0xb8;
	[tilespmem:$0x18100] =	vst v63  }
0x74: {  	s0 =	simm.s32 $0xE100  }
0x75: {  	[tilespmem:s0], [sflag:$0x1] =	stream.indirect_vreg.gather [hbm4b:s5+s2], $0x80, v13, vm0, $0xb8;
	[tilespmem:$0x18100] =	vst v63  }
0x76: {  	s0 =	simm.s32 $0xE900  }
0x77: {  	[tilespmem:s0], [sflag:$0x1] =	stream.indirect_vreg.gather [hbm4b:s6+s2], $0x80, v13, vm0, $0xb8;
	[tilespmem:$0x18100] =	vst v63  }
0x78: {  	v13 =	vld [tilespmem:$0xD0];
	_ =	sdelay $0x4  }
0x79: {  	v14 =	vshrl.u32 v13, $0x3  }
0x7a: {  	v14 =	vmul.u32 $0x30, v14  }
0x7b: {  	v13 =	vand.u32 $0x7, v13  }
0x7c: {  	v13 =	vor.u32 v13, v14  }
0x7d: {  	v14 =	vperm.xlane v13, v5;
	_ =	sdelay $0x1  }
0x7e: {  	v14 =	vadd.s32 v7, v14;
	_ =	sdelay $0x3  }
0x7f: {  	s0 =	simm.s32 $0xF100;
	v13 =	vperm.xlane v13, v6  }
0x80: {  	[tilespmem:s0], [sflag:$0x1] =	stream.indirect_vreg.gather [hbm4b:s1+s2], $0x80, v14, vm0, $0xb8;
	[tilespmem:$0x18100] =	vst v63  }
0x81: {  	v13 =	vadd.s32 v7, v13;
	s0 =	simm.s32 $0xF900  }
0x82: {  	[tilespmem:s0], [sflag:$0x1] =	stream.indirect_vreg.gather [hbm4b:s5+s2], $0x80, v14, vm0, $0xb8;
	[tilespmem:$0x18100] =	vst v63  }
0x83: {  	s0 =	simm.s32 $0x10100  }
0x84: {  	[tilespmem:s0], [sflag:$0x1] =	stream.indirect_vreg.gather [hbm4b:s6+s2], $0x80, v14, vm0, $0xb8;
	[tilespmem:$0x18100] =	vst v63  }
0x85: {  	s0 =	simm.s32 $0x10900  }
0x86: {  	[tilespmem:s0], [sflag:$0x1] =	stream.indirect_vreg.gather [hbm4b:s1+s2], $0x80, v13, vm0, $0xb8;
	[tilespmem:$0x18100] =	vst v63  }
0x87: {  	s0 =	simm.s32 $0x11100  }
0x88: {  	[tilespmem:s0], [sflag:$0x1] =	stream.indirect_vreg.gather [hbm4b:s5+s2], $0x80, v13, vm0, $0xb8;
	[tilespmem:$0x18100] =	vst v63  }
0x89: {  	s0 =	simm.s32 $0x11900  }
0x8a: {  	[tilespmem:s0], [sflag:$0x1] =	stream.indirect_vreg.gather [hbm4b:s6+s2], $0x80, v13, vm0, $0xb8;
	[tilespmem:$0x18100] =	vst v63  }
0x8b: {  	v13 =	vld [tilespmem:$0xE0];
	_ =	sdelay $0x4  }
0x8c: {  	v14 =	vshrl.u32 v13, $0x3  }
0x8d: {  	v14 =	vmul.u32 $0x30, v14  }
0x8e: {  	v13 =	vand.u32 $0x7, v13  }
0x8f: {  	v13 =	vor.u32 v13, v14  }
0x90: {  	v14 =	vperm.xlane v13, v5;
	_ =	sdelay $0x1  }
0x91: {  	v14 =	vadd.s32 v7, v14;
	_ =	sdelay $0x3  }
0x92: {  	s0 =	simm.s32 $0x12100;
	v13 =	vperm.xlane v13, v6  }
0x93: {  	[tilespmem:s0], [sflag:$0x1] =	stream.indirect_vreg.gather [hbm4b:s1+s2], $0x80, v14, vm0, $0xb8;
	[tilespmem:$0x18100] =	vst v63  }
0x94: {  	v13 =	vadd.s32 v7, v13;
	s0 =	simm.s32 $0x12900  }
0x95: {  	[tilespmem:s0], [sflag:$0x1] =	stream.indirect_vreg.gather [hbm4b:s5+s2], $0x80, v14, vm0, $0xb8;
	[tilespmem:$0x18100] =	vst v63  }
0x96: {  	s0 =	simm.s32 $0x13100  }
0x97: {  	[tilespmem:s0], [sflag:$0x1] =	stream.indirect_vreg.gather [hbm4b:s6+s2], $0x80, v14, vm0, $0xb8;
	[tilespmem:$0x18100] =	vst v63  }
0x98: {  	s0 =	simm.s32 $0x13900  }
0x99: {  	[tilespmem:s0], [sflag:$0x1] =	stream.indirect_vreg.gather [hbm4b:s1+s2], $0x80, v13, vm0, $0xb8;
	[tilespmem:$0x18100] =	vst v63  }
0x9a: {  	s0 =	simm.s32 $0x14100  }
0x9b: {  	[tilespmem:s0], [sflag:$0x1] =	stream.indirect_vreg.gather [hbm4b:s5+s2], $0x80, v13, vm0, $0xb8;
	[tilespmem:$0x18100] =	vst v63  }
0x9c: {  	s0 =	simm.s32 $0x14900  }
0x9d: {  	[tilespmem:s0], [sflag:$0x1] =	stream.indirect_vreg.gather [hbm4b:s6+s2], $0x80, v13, vm0, $0xb8;
	[tilespmem:$0x18100] =	vst v63  }
0x9e: {  	v13 =	vld [tilespmem:$0xF0];
	_ =	sdelay $0x4  }
0x9f: {  	v14 =	vshrl.u32 v13, $0x3  }
0xa0: {  	v14 =	vmul.u32 $0x30, v14  }
0xa1: {  	v13 =	vand.u32 $0x7, v13  }
0xa2: {  	v13 =	vor.u32 v13, v14  }
0xa3: {  	v14 =	vperm.xlane v13, v5;
	_ =	sdelay $0x1  }
0xa4: {  	v14 =	vadd.s32 v7, v14;
	_ =	sdelay $0x3  }
0xa5: {  	s0 =	simm.s32 $0x15100;
	v13 =	vperm.xlane v13, v6  }
0xa6: {  	[tilespmem:s0], [sflag:$0x1] =	stream.indirect_vreg.gather [hbm4b:s1+s2], $0x80, v14, vm0, $0xb8;
	[tilespmem:$0x18100] =	vst v63  }
0xa7: {  	v13 =	vadd.s32 v7, v13;
	s0 =	simm.s32 $0x15900  }
0xa8: {  	[tilespmem:s0], [sflag:$0x1] =	stream.indirect_vreg.gather [hbm4b:s5+s2], $0x80, v14, vm0, $0xb8;
	[tilespmem:$0x18100] =	vst v63  }
0xa9: {  	s0 =	simm.s32 $0x16100  }
0xaa: {  	[tilespmem:s0], [sflag:$0x1] =	stream.indirect_vreg.gather [hbm4b:s6+s2], $0x80, v14, vm0, $0xb8;
	[tilespmem:$0x18100] =	vst v63  }
0xab: {  	s0 =	simm.s32 $0x16900  }
0xac: {  	[tilespmem:s0], [sflag:$0x1] =	stream.indirect_vreg.gather [hbm4b:s1+s2], $0x80, v13, vm0, $0xb8;
	[tilespmem:$0x18100] =	vst v63  }
0xad: {  	s0 =	simm.s32 $0x17100  }
0xae: {  	[tilespmem:s0], [sflag:$0x1] =	stream.indirect_vreg.gather [hbm4b:s5+s2], $0x80, v13, vm0, $0xb8;
	[tilespmem:$0x18100] =	vst v63  }
0xaf: {  	s0 =	simm.s32 $0x17900  }
0xb0: {  	[tilespmem:s0], [sflag:$0x1] =	stream.indirect_vreg.gather [hbm4b:s6+s2], $0x80, v13, vm0, $0xb8;
	[tilespmem:$0x18100] =	vst v63  }
0xb1: {  	_ =	swait.ge [sflag:s15], $0x18000  }
0xb2: {  	[sflag:s15] =	ssyncset.done $0x0  }
0xb3: {  	[sflag:s15] =	ssyncadd.s32 $0xFFFE8000  }
0xb4: {  	v13 =	vld [tilespmem:$0x0];
	_ =	sdelay $0x4  }
0xb5: {  	v14 =	vshrl.u32 v13, $0x3  }
0xb6: {  	v14 =	vmul.u32 $0x30, v14  }
0xb7: {  	v13 =	vand.u32 $0x7, v13  }
0xb8: {  	v13 =	vor.u32 v13, v14  }
0xb9: {  	v14 =	vperm.xlane v13, v5;
	_ =	sdelay $0x1  }
0xba: {  	v14 =	vadd.s32 v7, v14;
	_ =	sdelay $0x3  }
0xbb: {  	v13 =	vperm.xlane v13, v6  }
0xbc: {  	[hbm4b:s4+s2] =	stream.indirect_vreg.scatter [tilespmem:s16], [sflag:$0x1], $0x80, v14, vm0, $0xb8;
	[tilespmem:$0x18100] =	vst v63  }
0xbd: {  	v13 =	vadd.s32 v7, v13  }
0xbe: {  	[hbm4b:s7+s2] =	stream.indirect_vreg.scatter [tilespmem:s17], [sflag:$0x1], $0x80, v14, vm0, $0xb8;
	[tilespmem:$0x18100] =	vst v63  }
0xbf: {  	_ = 	snop  }
0xc0: {  	[hbm4b:s8+s2] =	stream.indirect_vreg.scatter [tilespmem:s18], [sflag:$0x1], $0x80, v14, vm0, $0xb8;
	[tilespmem:$0x18100] =	vst v63  }
0xc1: {  	_ = 	snop  }
0xc2: {  	[hbm4b:s4+s2] =	stream.indirect_vreg.scatter [tilespmem:s19], [sflag:$0x1], $0x80, v13, vm0, $0xb8;
	[tilespmem:$0x18100] =	vst v63  }
0xc3: {  	_ = 	snop  }
0xc4: {  	[hbm4b:s7+s2] =	stream.indirect_vreg.scatter [tilespmem:s20], [sflag:$0x1], $0x80, v13, vm0, $0xb8;
	[tilespmem:$0x18100] =	vst v63  }
0xc5: {  	_ = 	snop  }
0xc6: {  	[hbm4b:s8+s2] =	stream.indirect_vreg.scatter [tilespmem:s21], [sflag:$0x1], $0x80, v13, vm0, $0xb8;
	[tilespmem:$0x18100] =	vst v63  }
0xc7: {  	v13 =	vld [tilespmem:$0x10];
	_ =	sdelay $0x4  }
0xc8: {  	v14 =	vshrl.u32 v13, $0x3  }
0xc9: {  	v14 =	vmul.u32 $0x30, v14  }
0xca: {  	v13 =	vand.u32 $0x7, v13  }
0xcb: {  	v13 =	vor.u32 v13, v14  }
0xcc: {  	v14 =	vperm.xlane v13, v5;
	_ =	sdelay $0x1  }
0xcd: {  	v14 =	vadd.s32 v7, v14;
	_ =	sdelay $0x3  }
0xce: {  	v13 =	vperm.xlane v13, v6  }
0xcf: {  	[hbm4b:s4+s2] =	stream.indirect_vreg.scatter [tilespmem:s22], [sflag:$0x1], $0x80, v14, vm0, $0xb8;
	[tilespmem:$0x18100] =	vst v63  }
0xd0: {  	v13 =	vadd.s32 v7, v13  }
0xd1: {  	[hbm4b:s7+s2] =	stream.indirect_vreg.scatter [tilespmem:s23], [sflag:$0x1], $0x80, v14, vm0, $0xb8;
	[tilespmem:$0x18100] =	vst v63  }
0xd2: {  	_ = 	snop  }
0xd3: {  	[hbm4b:s8+s2] =	stream.indirect_vreg.scatter [tilespmem:s24], [sflag:$0x1], $0x80, v14, vm0, $0xb8;
	[tilespmem:$0x18100] =	vst v63  }
0xd4: {  	_ = 	snop  }
0xd5: {  	[hbm4b:s4+s2] =	stream.indirect_vreg.scatter [tilespmem:s25], [sflag:$0x1], $0x80, v13, vm0, $0xb8;
	[tilespmem:$0x18100] =	vst v63  }
0xd6: {  	_ = 	snop  }
0xd7: {  	[hbm4b:s7+s2] =	stream.indirect_vreg.scatter [tilespmem:s26], [sflag:$0x1], $0x80, v13, vm0, $0xb8;
	[tilespmem:$0x18100] =	vst v63  }
0xd8: {  	_ = 	snop  }
0xd9: {  	[hbm4b:s8+s2] =	stream.indirect_vreg.scatter [tilespmem:s28], [sflag:$0x1], $0x80, v13, vm0, $0xb8;
	[tilespmem:$0x18100] =	vst v63  }
0xda: {  	v13 =	vld [tilespmem:$0x20];
	_ =	sdelay $0x4  }
0xdb: {  	v14 =	vshrl.u32 v13, $0x3  }
0xdc: {  	v14 =	vmul.u32 $0x30, v14  }
0xdd: {  	v13 =	vand.u32 $0x7, v13  }
0xde: {  	v13 =	vor.u32 v13, v14  }
0xdf: {  	v14 =	vperm.xlane v13, v5;
	_ =	sdelay $0x1  }
0xe0: {  	v14 =	vadd.s32 v7, v14;
	_ =	sdelay $0x3  }
0xe1: {  	v13 =	vperm.xlane v13, v6  }
0xe2: {  	[hbm4b:s4+s2] =	stream.indirect_vreg.scatter [tilespmem:s29], [sflag:$0x1], $0x80, v14, vm0, $0xb8;
	[tilespmem:$0x18100] =	vst v63  }
0xe3: {  	v13 =	vadd.s32 v7, v13  }
0xe4: {  	[hbm4b:s7+s2] =	stream.indirect_vreg.scatter [tilespmem:s30], [sflag:$0x1], $0x80, v14, vm0, $0xb8;
	[tilespmem:$0x18100] =	vst v63  }
0xe5: {  	_ = 	snop  }
0xe6: {  	[hbm4b:s8+s2] =	stream.indirect_vreg.scatter [tilespmem:s31], [sflag:$0x1], $0x80, v14, vm0, $0xb8;
	[tilespmem:$0x18100] =	vst v63  }
0xe7: {  	s16 =	simm.s32 $0x7900  }
0xe8: {  	[hbm4b:s4+s2] =	stream.indirect_vreg.scatter [tilespmem:s16], [sflag:$0x1], $0x80, v13, vm0, $0xb8;
	[tilespmem:$0x18100] =	vst v63  }
0xe9: {  	_ = 	snop  }
0xea: {  	[hbm4b:s7+s2] =	stream.indirect_vreg.scatter [tilespmem:s3], [sflag:$0x1], $0x80, v13, vm0, $0xb8;
	[tilespmem:$0x18100] =	vst v63  }
0xeb: {  	_ = 	snop  }
0xec: {  	[hbm4b:s8+s2] =	stream.indirect_vreg.scatter [tilespmem:s11], [sflag:$0x1], $0x80, v13, vm0, $0xb8;
	[tilespmem:$0x18100] =	vst v63  }
0xed: {  	v13 =	vld [tilespmem:$0x30];
	_ =	sdelay $0x4  }
0xee: {  	v14 =	vshrl.u32 v13, $0x3  }
0xef: {  	v14 =	vmul.u32 $0x30, v14  }
0xf0: {  	v13 =	vand.u32 $0x7, v13  }
0xf1: {  	v13 =	vor.u32 v13, v14  }
0xf2: {  	v14 =	vperm.xlane v13, v5;
	_ =	sdelay $0x1  }
0xf3: {  	v14 =	vadd.s32 v7, v14;
	_ =	sdelay $0x3  }
0xf4: {  	v13 =	vperm.xlane v13, v6  }
0xf5: {  	[hbm4b:s4+s2] =	stream.indirect_vreg.scatter [tilespmem:s12], [sflag:$0x1], $0x80, v14, vm0, $0xb8;
	[tilespmem:$0x18100] =	vst v63  }
0xf6: {  	v13 =	vadd.s32 v7, v13  }
0xf7: {  	[hbm4b:s7+s2] =	stream.indirect_vreg.scatter [tilespmem:s13], [sflag:$0x1], $0x80, v14, vm0, $0xb8;
	[tilespmem:$0x18100] =	vst v63  }
0xf8: {  	_ = 	snop  }
0xf9: {  	[hbm4b:s8+s2] =	stream.indirect_vreg.scatter [tilespmem:s14], [sflag:$0x1], $0x80, v14, vm0, $0xb8;
	[tilespmem:$0x18100] =	vst v63  }
0xfa: {  	_ = 	snop  }
0xfb: {  	[hbm4b:s4+s2] =	stream.indirect_vreg.scatter [tilespmem:s10], [sflag:$0x1], $0x80, v13, vm0, $0xb8;
	[tilespmem:$0x18100] =	vst v63  }
0xfc: {  	s16 =	simm.s32 $0xB100  }
0xfd: {  	[hbm4b:s7+s2] =	stream.indirect_vreg.scatter [tilespmem:s16], [sflag:$0x1], $0x80, v13, vm0, $0xb8;
	[tilespmem:$0x18100] =	vst v63  }
0xfe: {  	s16 =	simm.s32 $0xB900  }
0xff: {  	[hbm4b:s8+s2] =	stream.indirect_vreg.scatter [tilespmem:s16], [sflag:$0x1], $0x80, v13, vm0, $0xb8;
	[tilespmem:$0x18100] =	vst v63  }
0x100: {  	v13 =	vld [tilespmem:$0x40];
	_ =	sdelay $0x4  }
0x101: {  	v14 =	vshrl.u32 v13, $0x3  }
0x102: {  	v14 =	vmul.u32 $0x30, v14  }
0x103: {  	v13 =	vand.u32 $0x7, v13  }
0x104: {  	v13 =	vor.u32 v13, v14  }
0x105: {  	v14 =	vperm.xlane v13, v5;
	_ =	sdelay $0x1  }
0x106: {  	v14 =	vadd.s32 v7, v14;
	_ =	sdelay $0x3  }
0x107: {  	s16 =	simm.s32 $0xC100;
	v13 =	vperm.xlane v13, v6  }
0x108: {  	[hbm4b:s4+s2] =	stream.indirect_vreg.scatter [tilespmem:s16], [sflag:$0x1], $0x80, v14, vm0, $0xb8;
	[tilespmem:$0x18100] =	vst v63  }
0x109: {  	v13 =	vadd.s32 v7, v13;
	s16 =	simm.s32 $0xC900  }
0x10a: {  	[hbm4b:s7+s2] =	stream.indirect_vreg.scatter [tilespmem:s16], [sflag:$0x1], $0x80, v14, vm0, $0xb8;
	[tilespmem:$0x18100] =	vst v63  }
0x10b: {  	s16 =	simm.s32 $0xD100  }
0x10c: {  	[hbm4b:s8+s2] =	stream.indirect_vreg.scatter [tilespmem:s16], [sflag:$0x1], $0x80, v14, vm0, $0xb8;
	[tilespmem:$0x18100] =	vst v63  }
0x10d: {  	s16 =	simm.s32 $0xD900  }
0x10e: {  	[hbm4b:s4+s2] =	stream.indirect_vreg.scatter [tilespmem:s16], [sflag:$0x1], $0x80, v13, vm0, $0xb8;
	[tilespmem:$0x18100] =	vst v63  }
0x10f: {  	s16 =	simm.s32 $0xE100  }
0x110: {  	[hbm4b:s7+s2] =	stream.indirect_vreg.scatter [tilespmem:s16], [sflag:$0x1], $0x80, v13, vm0, $0xb8;
	[tilespmem:$0x18100] =	vst v63  }
0x111: {  	s16 =	simm.s32 $0xE900  }
0x112: {  	[hbm4b:s8+s2] =	stream.indirect_vreg.scatter [tilespmem:s16], [sflag:$0x1], $0x80, v13, vm0, $0xb8;
	[tilespmem:$0x18100] =	vst v63  }
0x113: {  	v13 =	vld [tilespmem:$0x50];
	_ =	sdelay $0x4  }
0x114: {  	v14 =	vshrl.u32 v13, $0x3  }
0x115: {  	v14 =	vmul.u32 $0x30, v14  }
0x116: {  	v13 =	vand.u32 $0x7, v13  }
0x117: {  	v13 =	vor.u32 v13, v14  }
0x118: {  	v14 =	vperm.xlane v13, v5;
	_ =	sdelay $0x1  }
0x119: {  	v14 =	vadd.s32 v7, v14;
	_ =	sdelay $0x3  }
0x11a: {  	s16 =	simm.s32 $0xF100;
	v13 =	vperm.xlane v13, v6  }
0x11b: {  	[hbm4b:s4+s2] =	stream.indirect_vreg.scatter [tilespmem:s16], [sflag:$0x1], $0x80, v14, vm0, $0xb8;
	[tilespmem:$0x18100] =	vst v63  }
0x11c: {  	v13 =	vadd.s32 v7, v13;
	s16 =	simm.s32 $0xF900  }
0x11d: {  	[hbm4b:s7+s2] =	stream.indirect_vreg.scatter [tilespmem:s16], [sflag:$0x1], $0x80, v14, vm0, $0xb8;
	[tilespmem:$0x18100] =	vst v63  }
0x11e: {  	s16 =	simm.s32 $0x10100  }
0x11f: {  	[hbm4b:s8+s2] =	stream.indirect_vreg.scatter [tilespmem:s16], [sflag:$0x1], $0x80, v14, vm0, $0xb8;
	[tilespmem:$0x18100] =	vst v63  }
0x120: {  	s16 =	simm.s32 $0x10900  }
0x121: {  	[hbm4b:s4+s2] =	stream.indirect_vreg.scatter [tilespmem:s16], [sflag:$0x1], $0x80, v13, vm0, $0xb8;
	[tilespmem:$0x18100] =	vst v63  }
0x122: {  	s16 =	simm.s32 $0x11100  }
0x123: {  	[hbm4b:s7+s2] =	stream.indirect_vreg.scatter [tilespmem:s16], [sflag:$0x1], $0x80, v13, vm0, $0xb8;
	[tilespmem:$0x18100] =	vst v63  }
0x124: {  	s16 =	simm.s32 $0x11900  }
0x125: {  	[hbm4b:s8+s2] =	stream.indirect_vreg.scatter [tilespmem:s16], [sflag:$0x1], $0x80, v13, vm0, $0xb8;
	[tilespmem:$0x18100] =	vst v63  }
0x126: {  	v13 =	vld [tilespmem:$0x60];
	_ =	sdelay $0x4  }
0x127: {  	v14 =	vshrl.u32 v13, $0x3  }
0x128: {  	v14 =	vmul.u32 $0x30, v14  }
0x129: {  	v13 =	vand.u32 $0x7, v13  }
0x12a: {  	v13 =	vor.u32 v13, v14  }
0x12b: {  	v14 =	vperm.xlane v13, v5;
	_ =	sdelay $0x1  }
0x12c: {  	v14 =	vadd.s32 v7, v14;
	_ =	sdelay $0x3  }
0x12d: {  	s16 =	simm.s32 $0x12100;
	v13 =	vperm.xlane v13, v6  }
0x12e: {  	[hbm4b:s4+s2] =	stream.indirect_vreg.scatter [tilespmem:s16], [sflag:$0x1], $0x80, v14, vm0, $0xb8;
	[tilespmem:$0x18100] =	vst v63  }
0x12f: {  	v13 =	vadd.s32 v7, v13;
	s16 =	simm.s32 $0x12900  }
0x130: {  	[hbm4b:s7+s2] =	stream.indirect_vreg.scatter [tilespmem:s16], [sflag:$0x1], $0x80, v14, vm0, $0xb8;
	[tilespmem:$0x18100] =	vst v63  }
0x131: {  	s16 =	simm.s32 $0x13100  }
0x132: {  	[hbm4b:s8+s2] =	stream.indirect_vreg.scatter [tilespmem:s16], [sflag:$0x1], $0x80, v14, vm0, $0xb8;
	[tilespmem:$0x18100] =	vst v63  }
0x133: {  	s16 =	simm.s32 $0x13900  }
0x134: {  	[hbm4b:s4+s2] =	stream.indirect_vreg.scatter [tilespmem:s16], [sflag:$0x1], $0x80, v13, vm0, $0xb8;
	[tilespmem:$0x18100] =	vst v63  }
0x135: {  	s16 =	simm.s32 $0x14100  }
0x136: {  	[hbm4b:s7+s2] =	stream.indirect_vreg.scatter [tilespmem:s16], [sflag:$0x1], $0x80, v13, vm0, $0xb8;
	[tilespmem:$0x18100] =	vst v63  }
0x137: {  	s16 =	simm.s32 $0x14900  }
0x138: {  	[hbm4b:s8+s2] =	stream.indirect_vreg.scatter [tilespmem:s16], [sflag:$0x1], $0x80, v13, vm0, $0xb8;
	[tilespmem:$0x18100] =	vst v63  }
0x139: {  	v13 =	vld [tilespmem:$0x70];
	_ =	sdelay $0x4  }
0x13a: {  	v14 =	vshrl.u32 v13, $0x3  }
0x13b: {  	v14 =	vmul.u32 $0x30, v14  }
0x13c: {  	v13 =	vand.u32 $0x7, v13  }
0x13d: {  	v13 =	vor.u32 v13, v14  }
0x13e: {  	v14 =	vperm.xlane v13, v5;
	_ =	sdelay $0x1  }
0x13f: {  	v14 =	vadd.s32 v7, v14;
	_ =	sdelay $0x3  }
0x140: {  	s16 =	simm.s32 $0x15100;
	v13 =	vperm.xlane v13, v6  }
0x141: {  	[hbm4b:s4+s2] =	stream.indirect_vreg.scatter [tilespmem:s16], [sflag:$0x1], $0x80, v14, vm0, $0xb8;
	[tilespmem:$0x18100] =	vst v63  }
0x142: {  	v13 =	vadd.s32 v7, v13;
	s16 =	simm.s32 $0x15900  }
0x143: {  	[hbm4b:s7+s2] =	stream.indirect_vreg.scatter [tilespmem:s16], [sflag:$0x1], $0x80, v14, vm0, $0xb8;
	[tilespmem:$0x18100] =	vst v63  }
0x144: {  	s16 =	simm.s32 $0x16100  }
0x145: {  	[hbm4b:s8+s2] =	stream.indirect_vreg.scatter [tilespmem:s16], [sflag:$0x1], $0x80, v14, vm0, $0xb8;
	[tilespmem:$0x18100] =	vst v63  }
0x146: {  	s16 =	simm.s32 $0x16900  }
0x147: {  	[hbm4b:s4+s2] =	stream.indirect_vreg.scatter [tilespmem:s16], [sflag:$0x1], $0x80, v13, vm0, $0xb8;
	[tilespmem:$0x18100] =	vst v63  }
0x148: {  	p0 =	sne.s32 s9, $0x1;
	s16 =	simm.s32 $0x17100  }
0x149: {  	[hbm4b:s7+s2] =	stream.indirect_vreg.scatter [tilespmem:s16], [sflag:$0x1], $0x80, v13, vm0, $0xb8;
	[tilespmem:$0x18100] =	vst v63  }
.Ltmp0:
0x14a: {  	_ = 	snop;
	(pc) =	sbr.rel @p0 .LBB2_1-.Ltmp0, $4  }
0x14b: {  	[hbm4b:s8+s2] =	stream.indirect_vreg.scatter [tilespmem:s0], [sflag:$0x1], $0x80, v13, vm0, $0xb8;
	[tilespmem:$0x18100] =	vst v63  }
0x14c: {  	_ =	swait.ge [sflag:s15], $0x18000  }
0x14d: {  	[sflag:s15] =	ssyncset.done $0x0  }
0x14e: {  	s9 =	sadd.s32 $0xFFFFFFFF, s9;
	[sflag:s15] =	ssyncadd.s32 $0xFFFE8000  }
0x14f: {  	_ =	sfence.sel $0x180000  }
0x150: {  	[bflag:$0x0] =	sbarrier.arrive $0xFFFF  }
0x151: {  	_ =	strace $0x90000047  }
0x152: {  	s0 =	stileid.u32;
	[bflag:$0x2] =	sbarrier.arrive $0xFFFF  }
0x153: {  	p0 =	sne.s32 s0, $0x0;
	s0 =	rddreg [dreg:$0x2]  }
0x154: {  	s0 =	sadd.s32 @!p0 $0x100000, s0  }
0x155: {  	[sflag:s0] =	ssyncadd.tile.s32 @!p0 $0x1;
	_ =	shalt  }
.Lfunc_end2:
_tile_overlayer_lowered:
.L_overlay_start_2:
0x156: {  	(tag) =	ssettag $0x2  }
0x157: {  	s0 =	rddreg [dreg:$0x0];
	s2 =	stileid.u32  }
0x158: {  	s1 =	rddreg [dreg:$0x1];
	p0 =	sne.s32 s2, $0x0  }
0x159: {  	s3 =	rddreg [dreg:$0x2];
	[bflag:$0x3] =	sbarrier.arrive $0xFFFF;
	s2 =	simm.s32 @!p0 $0x1C02  }
0x15a: {  	[timem:s3], [sflag:s2] =	dma.local @!p0 [hbm:s0], s1  }
0x15b: {  	s0 =	simm.s32 @!p0 $0x2  }
0x15c: {  	_ =	swait.ge @!p0 [sflag:s0], s1  }
0x15d: {  	s1 =	ssub.s32 @!p0 $0x0, s1;
	[sflag:s0] =	ssyncset.done @!p0 $0x0  }
0x15e: {  	[sflag:s0] =	ssyncadd.s32 @!p0 s1  }
0x15f: {  	[bflag:$0x3] =	sbarrier.arrive $0xFFFF  }
0x160: {  	_ =	shalt  }

</sc_bundles>
